<compile_context>
chip_gen: v7x
topology: tpu7x:2x2x1
jax: 0.10.2.dev20260603
libtpu: 0.0.44.dev20260713+nightly
codegen_flags: <defaults>
</compile_context>

<pallas_src>
import functools

import jax
import jax.numpy as jnp
from jax import lax
from jax.experimental import pallas as pl
from jax.experimental.pallas import tpu as pltpu
from jax.experimental.pallas import tpu_sc as plsc

H = 1024
NSP = 8
CORPUS = 512
ROWS = CORPUS + NSP
BATCH = 32
SC_BATCHES = 16


def _mlp_body(w1_ref, b1_ref, w2_ref, b2_ref, sp_ref, h_ref):
    r = pl.program_id(0)

    @pl.when(r == 0)
    def _():
        ones = jnp.ones((8, H), jnp.float32)
        h = lax.dot_general(ones, w1_ref[...], (((1,), (1,)), ((), ())),
                            preferred_element_type=jnp.float32)
        h_ref[...] = jax.nn.relu(h + b1_ref[...][None, :])

    res = lax.dot_general(h_ref[...], w2_ref[...], (((1,), (1,)), ((), ())),
                          preferred_element_type=jnp.float32)
    sp_ref[pl.ds(r, 1), :] = res[0:1, :] + b2_ref[...][None, :]


def _soft_prompt(W1, b1, W2, b2):
    return pl.pallas_call(
        _mlp_body,
        grid=(NSP,),
        in_specs=[
            pl.BlockSpec((H, H), lambda r: (0, 0)),
            pl.BlockSpec((H,), lambda r: (0,)),
            pl.BlockSpec((H, H), lambda r: (r, 0)),
            pl.BlockSpec((H,), lambda r: (r,)),
        ],
        out_specs=pl.BlockSpec((NSP, H), lambda r: (0, 0)),
        out_shape=jax.ShapeDtypeStruct((NSP, H), jnp.float32),
        scratch_shapes=[pltpu.VMEM((8, H), jnp.float32)],
    )(W1, b1, W2, b2)


def _sc_broadcast_de(de):
    mesh = plsc.ScalarSubcoreMesh(axis_name="c", num_cores=2)
    per_core = SC_BATCHES // 2

    @functools.partial(
        pl.kernel,
        out_type=jax.ShapeDtypeStruct((BATCH, ROWS, H), jnp.float32),
        mesh=mesh,
        scratch_types=[
            pltpu.VMEM_SHARED((CORPUS, H), jnp.float32),
            pltpu.SemaphoreType.DMA,
        ],
    )
    def body(de_hbm, out_hbm, shared, sem):
        c = lax.axis_index("c")
        pltpu.sync_copy(de_hbm, shared)
        copies = []
        for i in range(per_core):
            b = c * per_core + i
            copies.append(
                pltpu.async_copy(shared, out_hbm.at[b, pl.ds(0, CORPUS)], sem))
        for cp in copies:
            cp.wait()

    return body(de)


def _finish_body(out_alias_ref, de_ref, sp_ref, out_ref, sem):
    del out_alias_ref
    copies = []
    for b in range(SC_BATCHES, BATCH):
        copies.append(
            pltpu.make_async_copy(de_ref, out_ref.at[b, pl.ds(0, CORPUS)], sem))
    for b in range(BATCH):
        copies.append(
            pltpu.make_async_copy(sp_ref, out_ref.at[b, pl.ds(CORPUS, NSP)], sem))
    for cp in copies:
        cp.start()
    for cp in copies:
        cp.wait()


def _tc_finish(out1, de, sp):
    return pl.pallas_call(
        _finish_body,
        grid=(1,),
        in_specs=[
            pl.BlockSpec(memory_space=pl.ANY),
            pl.BlockSpec((CORPUS, H), lambda i: (0, 0)),
            pl.BlockSpec((NSP, H), lambda i: (0, 0)),
        ],
        out_specs=pl.BlockSpec(memory_space=pl.ANY),
        out_shape=jax.ShapeDtypeStruct((BATCH, ROWS, H), jnp.float32),
        input_output_aliases={0: 0},
        scratch_shapes=[pltpu.SemaphoreType.DMA],
    )(out1, de, sp)


def kernel(input_ids, dataset_embeddings, W1, b1, W2, b2):
    del input_ids
    de = dataset_embeddings.astype(jnp.float32)
    sp = _soft_prompt(W1, b1, W2, b2)
    out = _sc_broadcast_de(de)
    out = _tc_finish(out, de, sp)
    return out

# --- scband reference (transcript-rebuilt; emitter-appended) ---
"""Pipeline reference for scband-contextual-model-mixin-47562467835936 (READ-ONLY COPY).

The authoritative reference and input builder live on the scoring server;
editing this copy changes nothing except your own understanding.
"""

import jax, jax.numpy as jnp
import numpy as np

HIDDEN_SIZE = 1024
N_SOFT_PROMPT = 8
TRANSDUCTIVE_CORPUS_SIZE = 512
TRANSDUCTIVE_TOKENS_PER_DOC = 1
NUM_CORPUS_TOKENS = TRANSDUCTIVE_CORPUS_SIZE * TRANSDUCTIVE_TOKENS_PER_DOC


def setup_inputs(seed: int = 0) -> dict:
    key = jax.random.key(seed)
    k1, k2, k3, k4 = jax.random.split(key, 4)
    input_ids = jax.random.randint(k1, (32, 2048), 0, 32000, dtype=jnp.int64 if jax.config.jax_enable_x64 else jnp.int32).astype(jnp.int32)
    dataset_embeddings = jax.random.normal(k2, (512, 1024), dtype=jnp.float32)
    # prompt_projection: Linear(h, h) -> ReLU -> Linear(h, h * n_soft_prompt)
    # PyTorch Linear weight layout: [out_features, in_features]
    W1 = jax.random.normal(k3, (1024, 1024), dtype=jnp.float32) * (1.0 / np.sqrt(1024))
    b1 = jnp.zeros((1024,), dtype=jnp.float32)
    W2 = jax.random.normal(k4, (8192, 1024), dtype=jnp.float32) * (1.0 / np.sqrt(1024))
    b2 = jnp.zeros((8192,), dtype=jnp.float32)
    return {"input_ids": input_ids, "dataset_embeddings": dataset_embeddings,
            "W1": W1, "b1": b1, "W2": W2, "b2": b2}


def reference(input_ids, dataset_embeddings, W1, b1, W2, b2):
    # Faithful translation of ContextualModelMixin._prepare_dataset_embeddings
    # in eval mode (training=False), null_dataset_embedding=False,
    # transductive_tokens_per_document == 1 (random-gather branch skipped).
    de = dataset_embeddings.astype(jnp.float32)
    if de.ndim == 2:
        de = de[None, :, :]
    batch_size = input_ids.shape[0]
    # truncate to num_corpus_tokens if longer
    de = de[:, :NUM_CORPUS_TOKENS, :]
    n_b, corpus_size, _h = de.shape
    if n_b == 1:
        de = jnp.broadcast_to(de, (batch_size, corpus_size, _h))
    # soft prompt: ones(1, hidden) -> Linear -> ReLU -> Linear -> reshape
    soft_prompt = jnp.ones((1, HIDDEN_SIZE), dtype=jnp.float32)
    h = jax.nn.relu(soft_prompt @ W1.T + b1)
    sp = (h @ W2.T + b2).reshape((1, N_SOFT_PROMPT, HIDDEN_SIZE))
    sp = jnp.broadcast_to(sp, (batch_size, N_SOFT_PROMPT, HIDDEN_SIZE))
    out = jnp.concatenate((de, sp), axis=1)
    return out

if __name__ == "__main__":
    import jax
    _d = setup_inputs()
    print(jax.jit(kernel)(*tuple(_d.values())))

</pallas_src>

<mosaic_0001>
#map = affine_map<(d0) -> (0, 0)>
#map1 = affine_map<(d0) -> (0, 0, 0)>
module attributes {stable_mosaic.version = 14 : i64} {
  func.func @body(%arg0: i32, %arg1: memref<512x1024xf32, #tpu.memory_space<hbm>>, %arg2: memref<32x520x1024xf32, #tpu.memory_space<hbm>>, %arg3: memref<512x1024xf32, #tpu.memory_space<vmem_shared>>, %arg4: memref<!tpu.dma_semaphore, #tpu.memory_space<semaphore_mem>>) attributes {dimension_semantics = [#tpu.dimension_semantics<core_parallel>], iteration_bounds = array<i64: 2>, scalar_prefetch = 0 : i64, scratch_operands = 2 : i64, tpu.core_type = #tpu.core_type<sc_scalar_subcore>, window_params = [{transform_indices = #map}, {transform_indices = #map1}]} {
    "tpu.region"() ({
      %run_scoped3A = tpu.sem_alloc : memref<!tpu.dma_semaphore, #tpu.memory_space<semaphore_mem>>
      tpu.enqueue_dma source(%arg1 : memref<512x1024xf32, #tpu.memory_space<hbm>>) target(%arg3 : memref<512x1024xf32, #tpu.memory_space<vmem_shared>>) target_semaphore(%run_scoped3A : memref<!tpu.dma_semaphore, #tpu.memory_space<semaphore_mem>>)
      tpu.wait_dma2 semaphore(%run_scoped3A : memref<!tpu.dma_semaphore, #tpu.memory_space<semaphore_mem>>) src(%arg1 : memref<512x1024xf32, #tpu.memory_space<hbm>>) dst(%arg3 : memref<512x1024xf32, #tpu.memory_space<vmem_shared>>)
      tpu.yield
    }) : () -> ()
    %mul3A = arith.constant 8 : i32
    %mul3A_0 = arith.muli %arg0, %mul3A : i32
    %add3A = arith.constant 0 : i32
    %add3A_1 = arith.addi %mul3A_0, %add3A : i32
    %dma_start3A = arith.constant 0 : i32
    %dma_start3A_2 = arith.constant 0 : i32
    %dma_start3A_3 = tpu.memref_slice %arg2[%add3A_1, %dma_start3A, %dma_start3A_2] : memref<32x520x1024xf32, #tpu.memory_space<hbm>> -> memref<1x512x1024xf32, #tpu.memory_space<hbm>>
    %dma_start3A_4 = tpu.memref_squeeze %dma_start3A_3 : memref<1x512x1024xf32, #tpu.memory_space<hbm>> -> memref<512x1024xf32, #tpu.memory_space<hbm>>
    tpu.enqueue_dma source(%arg3 : memref<512x1024xf32, #tpu.memory_space<vmem_shared>>) target(%dma_start3A_4 : memref<512x1024xf32, #tpu.memory_space<hbm>>) target_semaphore(%arg4 : memref<!tpu.dma_semaphore, #tpu.memory_space<semaphore_mem>>)
    %mul3A_5 = arith.constant 8 : i32
    %mul3A_6 = arith.muli %arg0, %mul3A_5 : i32
    %add3A_7 = arith.constant 1 : i32
    %add3A_8 = arith.addi %mul3A_6, %add3A_7 : i32
    %dma_start3A_9 = arith.constant 0 : i32
    %dma_start3A_10 = arith.constant 0 : i32
    %dma_start3A_11 = tpu.memref_slice %arg2[%add3A_8, %dma_start3A_9, %dma_start3A_10] : memref<32x520x1024xf32, #tpu.memory_space<hbm>> -> memref<1x512x1024xf32, #tpu.memory_space<hbm>>
    %dma_start3A_12 = tpu.memref_squeeze %dma_start3A_11 : memref<1x512x1024xf32, #tpu.memory_space<hbm>> -> memref<512x1024xf32, #tpu.memory_space<hbm>>
    tpu.enqueue_dma source(%arg3 : memref<512x1024xf32, #tpu.memory_space<vmem_shared>>) target(%dma_start3A_12 : memref<512x1024xf32, #tpu.memory_space<hbm>>) target_semaphore(%arg4 : memref<!tpu.dma_semaphore, #tpu.memory_space<semaphore_mem>>)
    %mul3A_13 = arith.constant 8 : i32
    %mul3A_14 = arith.muli %arg0, %mul3A_13 : i32
    %add3A_15 = arith.constant 2 : i32
    %add3A_16 = arith.addi %mul3A_14, %add3A_15 : i32
    %dma_start3A_17 = arith.constant 0 : i32
    %dma_start3A_18 = arith.constant 0 : i32
    %dma_start3A_19 = tpu.memref_slice %arg2[%add3A_16, %dma_start3A_17, %dma_start3A_18] : memref<32x520x1024xf32, #tpu.memory_space<hbm>> -> memref<1x512x1024xf32, #tpu.memory_space<hbm>>
    %dma_start3A_20 = tpu.memref_squeeze %dma_start3A_19 : memref<1x512x1024xf32, #tpu.memory_space<hbm>> -> memref<512x1024xf32, #tpu.memory_space<hbm>>
    tpu.enqueue_dma source(%arg3 : memref<512x1024xf32, #tpu.memory_space<vmem_shared>>) target(%dma_start3A_20 : memref<512x1024xf32, #tpu.memory_space<hbm>>) target_semaphore(%arg4 : memref<!tpu.dma_semaphore, #tpu.memory_space<semaphore_mem>>)
    %mul3A_21 = arith.constant 8 : i32
    %mul3A_22 = arith.muli %arg0, %mul3A_21 : i32
    %add3A_23 = arith.constant 3 : i32
    %add3A_24 = arith.addi %mul3A_22, %add3A_23 : i32
    %dma_start3A_25 = arith.constant 0 : i32
    %dma_start3A_26 = arith.constant 0 : i32
    %dma_start3A_27 = tpu.memref_slice %arg2[%add3A_24, %dma_start3A_25, %dma_start3A_26] : memref<32x520x1024xf32, #tpu.memory_space<hbm>> -> memref<1x512x1024xf32, #tpu.memory_space<hbm>>
    %dma_start3A_28 = tpu.memref_squeeze %dma_start3A_27 : memref<1x512x1024xf32, #tpu.memory_space<hbm>> -> memref<512x1024xf32, #tpu.memory_space<hbm>>
    tpu.enqueue_dma source(%arg3 : memref<512x1024xf32, #tpu.memory_space<vmem_shared>>) target(%dma_start3A_28 : memref<512x1024xf32, #tpu.memory_space<hbm>>) target_semaphore(%arg4 : memref<!tpu.dma_semaphore, #tpu.memory_space<semaphore_mem>>)
    %mul3A_29 = arith.constant 8 : i32
    %mul3A_30 = arith.muli %arg0, %mul3A_29 : i32
    %add3A_31 = arith.constant 4 : i32
    %add3A_32 = arith.addi %mul3A_30, %add3A_31 : i32
    %dma_start3A_33 = arith.constant 0 : i32
    %dma_start3A_34 = arith.constant 0 : i32
    %dma_start3A_35 = tpu.memref_slice %arg2[%add3A_32, %dma_start3A_33, %dma_start3A_34] : memref<32x520x1024xf32, #tpu.memory_space<hbm>> -> memref<1x512x1024xf32, #tpu.memory_space<hbm>>
    %dma_start3A_36 = tpu.memref_squeeze %dma_start3A_35 : memref<1x512x1024xf32, #tpu.memory_space<hbm>> -> memref<512x1024xf32, #tpu.memory_space<hbm>>
    tpu.enqueue_dma source(%arg3 : memref<512x1024xf32, #tpu.memory_space<vmem_shared>>) target(%dma_start3A_36 : memref<512x1024xf32, #tpu.memory_space<hbm>>) target_semaphore(%arg4 : memref<!tpu.dma_semaphore, #tpu.memory_space<semaphore_mem>>)
    %mul3A_37 = arith.constant 8 : i32
    %mul3A_38 = arith.muli %arg0, %mul3A_37 : i32
    %add3A_39 = arith.constant 5 : i32
    %add3A_40 = arith.addi %mul3A_38, %add3A_39 : i32
    %dma_start3A_41 = arith.constant 0 : i32
    %dma_start3A_42 = arith.constant 0 : i32
    %dma_start3A_43 = tpu.memref_slice %arg2[%add3A_40, %dma_start3A_41, %dma_start3A_42] : memref<32x520x1024xf32, #tpu.memory_space<hbm>> -> memref<1x512x1024xf32, #tpu.memory_space<hbm>>
    %dma_start3A_44 = tpu.memref_squeeze %dma_start3A_43 : memref<1x512x1024xf32, #tpu.memory_space<hbm>> -> memref<512x1024xf32, #tpu.memory_space<hbm>>
    tpu.enqueue_dma source(%arg3 : memref<512x1024xf32, #tpu.memory_space<vmem_shared>>) target(%dma_start3A_44 : memref<512x1024xf32, #tpu.memory_space<hbm>>) target_semaphore(%arg4 : memref<!tpu.dma_semaphore, #tpu.memory_space<semaphore_mem>>)
    %mul3A_45 = arith.constant 8 : i32
    %mul3A_46 = arith.muli %arg0, %mul3A_45 : i32
    %add3A_47 = arith.constant 6 : i32
    %add3A_48 = arith.addi %mul3A_46, %add3A_47 : i32
    %dma_start3A_49 = arith.constant 0 : i32
    %dma_start3A_50 = arith.constant 0 : i32
    %dma_start3A_51 = tpu.memref_slice %arg2[%add3A_48, %dma_start3A_49, %dma_start3A_50] : memref<32x520x1024xf32, #tpu.memory_space<hbm>> -> memref<1x512x1024xf32, #tpu.memory_space<hbm>>
    %dma_start3A_52 = tpu.memref_squeeze %dma_start3A_51 : memref<1x512x1024xf32, #tpu.memory_space<hbm>> -> memref<512x1024xf32, #tpu.memory_space<hbm>>
    tpu.enqueue_dma source(%arg3 : memref<512x1024xf32, #tpu.memory_space<vmem_shared>>) target(%dma_start3A_52 : memref<512x1024xf32, #tpu.memory_space<hbm>>) target_semaphore(%arg4 : memref<!tpu.dma_semaphore, #tpu.memory_space<semaphore_mem>>)
    %mul3A_53 = arith.constant 8 : i32
    %mul3A_54 = arith.muli %arg0, %mul3A_53 : i32
    %add3A_55 = arith.constant 7 : i32
    %add3A_56 = arith.addi %mul3A_54, %add3A_55 : i32
    %dma_start3A_57 = arith.constant 0 : i32
    %dma_start3A_58 = arith.constant 0 : i32
    %dma_start3A_59 = tpu.memref_slice %arg2[%add3A_56, %dma_start3A_57, %dma_start3A_58] : memref<32x520x1024xf32, #tpu.memory_space<hbm>> -> memref<1x512x1024xf32, #tpu.memory_space<hbm>>
    %dma_start3A_60 = tpu.memref_squeeze %dma_start3A_59 : memref<1x512x1024xf32, #tpu.memory_space<hbm>> -> memref<512x1024xf32, #tpu.memory_space<hbm>>
    tpu.enqueue_dma source(%arg3 : memref<512x1024xf32, #tpu.memory_space<vmem_shared>>) target(%dma_start3A_60 : memref<512x1024xf32, #tpu.memory_space<hbm>>) target_semaphore(%arg4 : memref<!tpu.dma_semaphore, #tpu.memory_space<semaphore_mem>>)
    %dma_wait3A = arith.constant 0 : i32
    %dma_wait3A_61 = arith.constant 0 : i32
    %dma_wait3A_62 = tpu.memref_slice %arg2[%add3A_1, %dma_wait3A, %dma_wait3A_61] : memref<32x520x1024xf32, #tpu.memory_space<hbm>> -> memref<1x512x1024xf32, #tpu.memory_space<hbm>>
    %dma_wait3A_63 = tpu.memref_squeeze %dma_wait3A_62 : memref<1x512x1024xf32, #tpu.memory_space<hbm>> -> memref<512x1024xf32, #tpu.memory_space<hbm>>
    tpu.wait_dma2 semaphore(%arg4 : memref<!tpu.dma_semaphore, #tpu.memory_space<semaphore_mem>>) src(%arg3 : memref<512x1024xf32, #tpu.memory_space<vmem_shared>>) dst(%dma_wait3A_63 : memref<512x1024xf32, #tpu.memory_space<hbm>>)
    %dma_wait3A_64 = arith.constant 0 : i32
    %dma_wait3A_65 = arith.constant 0 : i32
    %dma_wait3A_66 = tpu.memref_slice %arg2[%add3A_8, %dma_wait3A_64, %dma_wait3A_65] : memref<32x520x1024xf32, #tpu.memory_space<hbm>> -> memref<1x512x1024xf32, #tpu.memory_space<hbm>>
    %dma_wait3A_67 = tpu.memref_squeeze %dma_wait3A_66 : memref<1x512x1024xf32, #tpu.memory_space<hbm>> -> memref<512x1024xf32, #tpu.memory_space<hbm>>
    tpu.wait_dma2 semaphore(%arg4 : memref<!tpu.dma_semaphore, #tpu.memory_space<semaphore_mem>>) src(%arg3 : memref<512x1024xf32, #tpu.memory_space<vmem_shared>>) dst(%dma_wait3A_67 : memref<512x1024xf32, #tpu.memory_space<hbm>>)
    %dma_wait3A_68 = arith.constant 0 : i32
    %dma_wait3A_69 = arith.constant 0 : i32
    %dma_wait3A_70 = tpu.memref_slice %arg2[%add3A_16, %dma_wait3A_68, %dma_wait3A_69] : memref<32x520x1024xf32, #tpu.memory_space<hbm>> -> memref<1x512x1024xf32, #tpu.memory_space<hbm>>
    %dma_wait3A_71 = tpu.memref_squeeze %dma_wait3A_70 : memref<1x512x1024xf32, #tpu.memory_space<hbm>> -> memref<512x1024xf32, #tpu.memory_space<hbm>>
    tpu.wait_dma2 semaphore(%arg4 : memref<!tpu.dma_semaphore, #tpu.memory_space<semaphore_mem>>) src(%arg3 : memref<512x1024xf32, #tpu.memory_space<vmem_shared>>) dst(%dma_wait3A_71 : memref<512x1024xf32, #tpu.memory_space<hbm>>)
    %dma_wait3A_72 = arith.constant 0 : i32
    %dma_wait3A_73 = arith.constant 0 : i32
    %dma_wait3A_74 = tpu.memref_slice %arg2[%add3A_24, %dma_wait3A_72, %dma_wait3A_73] : memref<32x520x1024xf32, #tpu.memory_space<hbm>> -> memref<1x512x1024xf32, #tpu.memory_space<hbm>>
    %dma_wait3A_75 = tpu.memref_squeeze %dma_wait3A_74 : memref<1x512x1024xf32, #tpu.memory_space<hbm>> -> memref<512x1024xf32, #tpu.memory_space<hbm>>
    tpu.wait_dma2 semaphore(%arg4 : memref<!tpu.dma_semaphore, #tpu.memory_space<semaphore_mem>>) src(%arg3 : memref<512x1024xf32, #tpu.memory_space<vmem_shared>>) dst(%dma_wait3A_75 : memref<512x1024xf32, #tpu.memory_space<hbm>>)
    %dma_wait3A_76 = arith.constant 0 : i32
    %dma_wait3A_77 = arith.constant 0 : i32
    %dma_wait3A_78 = tpu.memref_slice %arg2[%add3A_32, %dma_wait3A_76, %dma_wait3A_77] : memref<32x520x1024xf32, #tpu.memory_space<hbm>> -> memref<1x512x1024xf32, #tpu.memory_space<hbm>>
    %dma_wait3A_79 = tpu.memref_squeeze %dma_wait3A_78 : memref<1x512x1024xf32, #tpu.memory_space<hbm>> -> memref<512x1024xf32, #tpu.memory_space<hbm>>
    tpu.wait_dma2 semaphore(%arg4 : memref<!tpu.dma_semaphore, #tpu.memory_space<semaphore_mem>>) src(%arg3 : memref<512x1024xf32, #tpu.memory_space<vmem_shared>>) dst(%dma_wait3A_79 : memref<512x1024xf32, #tpu.memory_space<hbm>>)
    %dma_wait3A_80 = arith.constant 0 : i32
    %dma_wait3A_81 = arith.constant 0 : i32
    %dma_wait3A_82 = tpu.memref_slice %arg2[%add3A_40, %dma_wait3A_80, %dma_wait3A_81] : memref<32x520x1024xf32, #tpu.memory_space<hbm>> -> memref<1x512x1024xf32, #tpu.memory_space<hbm>>
    %dma_wait3A_83 = tpu.memref_squeeze %dma_wait3A_82 : memref<1x512x1024xf32, #tpu.memory_space<hbm>> -> memref<512x1024xf32, #tpu.memory_space<hbm>>
    tpu.wait_dma2 semaphore(%arg4 : memref<!tpu.dma_semaphore, #tpu.memory_space<semaphore_mem>>) src(%arg3 : memref<512x1024xf32, #tpu.memory_space<vmem_shared>>) dst(%dma_wait3A_83 : memref<512x1024xf32, #tpu.memory_space<hbm>>)
    %dma_wait3A_84 = arith.constant 0 : i32
    %dma_wait3A_85 = arith.constant 0 : i32
    %dma_wait3A_86 = tpu.memref_slice %arg2[%add3A_48, %dma_wait3A_84, %dma_wait3A_85] : memref<32x520x1024xf32, #tpu.memory_space<hbm>> -> memref<1x512x1024xf32, #tpu.memory_space<hbm>>
    %dma_wait3A_87 = tpu.memref_squeeze %dma_wait3A_86 : memref<1x512x1024xf32, #tpu.memory_space<hbm>> -> memref<512x1024xf32, #tpu.memory_space<hbm>>
    tpu.wait_dma2 semaphore(%arg4 : memref<!tpu.dma_semaphore, #tpu.memory_space<semaphore_mem>>) src(%arg3 : memref<512x1024xf32, #tpu.memory_space<vmem_shared>>) dst(%dma_wait3A_87 : memref<512x1024xf32, #tpu.memory_space<hbm>>)
    %dma_wait3A_88 = arith.constant 0 : i32
    %dma_wait3A_89 = arith.constant 0 : i32
    %dma_wait3A_90 = tpu.memref_slice %arg2[%add3A_56, %dma_wait3A_88, %dma_wait3A_89] : memref<32x520x1024xf32, #tpu.memory_space<hbm>> -> memref<1x512x1024xf32, #tpu.memory_space<hbm>>
    %dma_wait3A_91 = tpu.memref_squeeze %dma_wait3A_90 : memref<1x512x1024xf32, #tpu.memory_space<hbm>> -> memref<512x1024xf32, #tpu.memory_space<hbm>>
    tpu.wait_dma2 semaphore(%arg4 : memref<!tpu.dma_semaphore, #tpu.memory_space<semaphore_mem>>) src(%arg3 : memref<512x1024xf32, #tpu.memory_space<vmem_shared>>) dst(%dma_wait3A_91 : memref<512x1024xf32, #tpu.memory_space<hbm>>)
    return
  }
}

module attributes {stable_mosaic.version = 14 : i64} {
  func.func @_mlp_body(%arg0: i32, %arg1: memref<1024x1024xf32, #tpu.memory_space<vmem>>, %arg2: memref<1024xf32, #tpu.memory_space<vmem>>, %arg3: memref<1024x1024xf32, #tpu.memory_space<vmem>>, %arg4: memref<1024xf32, #tpu.memory_space<vmem>>, %arg5: memref<8x1024xf32, #tpu.memory_space<vmem>>, %arg6: memref<8x1024xf32, #tpu.memory_space<vmem>>) attributes {dimension_semantics = [#tpu.dimension_semantics<arbitrary>], iteration_bounds = array<i64: 8>, scalar_prefetch = 0 : i64, scratch_operands = 1 : i64, tpu.core_type = #tpu.core_type<tc>, window_params = [{pipeline_mode = #tpu.pipeline_mode<synchronous>, transform_indices = @transform_0, window_bounds = array<i64: 1024, 1024>}, {pipeline_mode = #tpu.pipeline_mode<synchronous>, transform_indices = @transform_1, window_bounds = array<i64: 1024>}, {transform_indices = @transform_2, window_bounds = array<i64: 1024, 1024>}, {transform_indices = @transform_3, window_bounds = array<i64: 1024>}, {pipeline_mode = #tpu.pipeline_mode<synchronous>, transform_indices = @transform_4, window_bounds = array<i64: 8, 1024>}]} {
    %eq3A = arith.constant 0 : i32
    %eq3A_0 = arith.cmpi eq, %arg0, %eq3A : i32
    %convert_element_type3A = arith.extui %eq3A_0 : i1 to i32
    %cond3A = arith.constant 0 : i32
    %cond3A_1 = arith.cmpi ne, %convert_element_type3A, %cond3A : i32
    scf.if %cond3A_1 {
      %broadcast_in_dim3A_12 = arith.constant 1.000000e+00 : f32
      %broadcast_in_dim3A_13 = vector.broadcast %broadcast_in_dim3A_12 : f32 to vector<8x1024xf32>
      %get3A_14 = arith.constant 0 : index
      %get3A_15 = arith.constant 0 : index
      %get3A_16 = vector.load %arg1[%get3A_14, %get3A_15] : memref<1024x1024xf32, #tpu.memory_space<vmem>>, vector<1024x1024xf32>
      %dot_general3A_17 = arith.constant dense<0.000000e+00> : vector<8x1024xf32>
      %dot_general3A_18 = tpu.matmul %broadcast_in_dim3A_13, %get3A_16, %dot_general3A_17 {dimension_numbers = #tpu.dot_dimension_numbers<[1], [1], [0], [0], [0, 0, 1, 0], [], []>, transpose_lhs_hint = false} : vector<8x1024xf32>, vector<1024x1024xf32>, vector<8x1024xf32> -> vector<8x1024xf32>
      %get3A_19 = arith.constant 0 : index
      %get3A_20 = vector.load %arg2[%get3A_19] : memref<1024xf32, #tpu.memory_space<vmem>>, vector<1024xf32>
      %broadcast_in_dim3A_21 = vector.shape_cast %get3A_20 : vector<1024xf32> to vector<1x1024xf32>
      %add3A_22 = vector.broadcast %broadcast_in_dim3A_21 : vector<1x1024xf32> to vector<8x1024xf32>
      %add3A_23 = arith.addf %dot_general3A_18, %add3A_22 : vector<8x1024xf32>
      %max3A = arith.constant 0.000000e+00 : f32
      %max3A_24 = vector.broadcast %max3A : f32 to vector<8x1024xf32>
      %max3A_25 = arith.maximumf %add3A_23, %max3A_24 : vector<8x1024xf32>
      %swap3A_26 = arith.constant 0 : index
      %swap3A_27 = arith.constant 0 : index
      %swap3A_28 = vector.load %arg6[%swap3A_26, %swap3A_27] : memref<8x1024xf32, #tpu.memory_space<vmem>>, vector<8x1024xf32>
      tpu.vector_store %arg6[%swap3A_26, %swap3A_27], %max3A_25 {strides = array<i32>} : memref<8x1024xf32, #tpu.memory_space<vmem>>, vector<8x1024xf32>,
    } else {
    }
    %get3A = arith.constant 0 : index
    %get3A_2 = arith.constant 0 : index
    %get3A_3 = vector.load %arg6[%get3A, %get3A_2] : memref<8x1024xf32, #tpu.memory_space<vmem>>, vector<8x1024xf32>
    %get3A_4 = arith.constant 0 : index
    %get3A_5 = arith.constant 0 : index
    %get3A_6 = vector.load %arg3[%get3A_4, %get3A_5] : memref<1024x1024xf32, #tpu.memory_space<vmem>>, vector<1024x1024xf32>
    %dot_general3A = arith.constant dense<0.000000e+00> : vector<8x1024xf32>
    %dot_general3A_7 = tpu.matmul %get3A_3, %get3A_6, %dot_general3A {dimension_numbers = #tpu.dot_dimension_numbers<[1], [1], [0], [0], [0, 0, 1, 0], [], []>, transpose_lhs_hint = false} : vector<8x1024xf32>, vector<1024x1024xf32>, vector<8x1024xf32> -> vector<8x1024xf32>
    %slice3A = vector.extract_strided_slice %dot_general3A_7 {offsets = [0, 0], sizes = [1, 1024], strides = [1, 1]} : vector<8x1024xf32> to vector<1x1024xf32>
    %get3A_8 = arith.constant 0 : index
    %get3A_9 = vector.load %arg4[%get3A_8] : memref<1024xf32, #tpu.memory_space<vmem>>, vector<1024xf32>
    %broadcast_in_dim3A = vector.shape_cast %get3A_9 : vector<1024xf32> to vector<1x1024xf32>
    %add3A = arith.addf %slice3A, %broadcast_in_dim3A : vector<1x1024xf32>
    %swap3A = arith.index_cast %arg0 : i32 to index
    %swap3A_10 = arith.constant 0 : index
    %swap3A_11 = vector.load %arg5[%swap3A, %swap3A_10] : memref<8x1024xf32, #tpu.memory_space<vmem>>, vector<1x1024xf32>
    tpu.vector_store %arg5[%swap3A, %swap3A_10], %add3A {strides = array<i32>} : memref<8x1024xf32, #tpu.memory_space<vmem>>, vector<1x1024xf32>,
    return
  }
  func.func @transform_0(%arg0: i32) -> (i32, i32) {
    %c0_i32 = arith.constant 0 : i32
    %c0_i32_0 = arith.constant 0 : i32
    %c0_i32_1 = arith.constant 0 : i32
    return %c0_i32, %c0_i32_0 : i32, i32
  }
  func.func @transform_1(%arg0: i32) -> i32 {
    %c0_i32 = arith.constant 0 : i32
    %c0_i32_0 = arith.constant 0 : i32
    return %c0_i32 : i32
  }
  func.func @transform_2(%arg0: i32) -> (i32, i32) {
    %c0_i32 = arith.constant 0 : i32
    %c0_i32_0 = arith.constant 0 : i32
    return %arg0, %c0_i32 : i32, i32
  }
  func.func @transform_3(%arg0: i32) -> i32 {
    %c0_i32 = arith.constant 0 : i32
    return %arg0 : i32
  }
  func.func @transform_4(%arg0: i32) -> (i32, i32) {
    %c0_i32 = arith.constant 0 : i32
    %c0_i32_0 = arith.constant 0 : i32
    %c0_i32_1 = arith.constant 0 : i32
    return %c0_i32, %c0_i32_0 : i32, i32
  }
}

module attributes {stable_mosaic.version = 14 : i64} {
  func.func @_finish_body(%arg0: i32, %arg1: memref<32x520x1024xf32, #tpu.memory_space<any>>, %arg2: memref<512x1024xf32, #tpu.memory_space<vmem>>, %arg3: memref<8x1024xf32, #tpu.memory_space<vmem>>, %arg4: memref<32x520x1024xf32, #tpu.memory_space<any>>, %arg5: memref<!tpu.dma_semaphore, #tpu.memory_space<semaphore_mem>>) attributes {dimension_semantics = [#tpu.dimension_semantics<arbitrary>], iteration_bounds = array<i64: 1>, scalar_prefetch = 0 : i64, scratch_operands = 1 : i64, tpu.core_type = #tpu.core_type<tc>, window_params = [{}, {pipeline_mode = #tpu.pipeline_mode<synchronous>, transform_indices = @transform_1, window_bounds = array<i64: 512, 1024>}, {pipeline_mode = #tpu.pipeline_mode<synchronous>, transform_indices = @transform_2, window_bounds = array<i64: 8, 1024>}, {}]} {
    %dma_start3A = arith.constant 16 : i32
    %dma_start3A_0 = arith.constant 0 : i32
    %dma_start3A_1 = arith.constant 0 : i32
    %dma_start3A_2 = tpu.memref_slice %arg4[%dma_start3A, %dma_start3A_0, %dma_start3A_1] : memref<32x520x1024xf32, #tpu.memory_space<any>> -> memref<1x512x1024xf32, #tpu.memory_space<any>>
    %dma_start3A_3 = tpu.memref_squeeze %dma_start3A_2 : memref<1x512x1024xf32, #tpu.memory_space<any>> -> memref<512x1024xf32, #tpu.memory_space<any>>
    tpu.enqueue_dma source(%arg2 : memref<512x1024xf32, #tpu.memory_space<vmem>>) target(%dma_start3A_3 : memref<512x1024xf32, #tpu.memory_space<any>>) target_semaphore(%arg5 : memref<!tpu.dma_semaphore, #tpu.memory_space<semaphore_mem>>)
    %dma_start3A_4 = arith.constant 17 : i32
    %dma_start3A_5 = arith.constant 0 : i32
    %dma_start3A_6 = arith.constant 0 : i32
    %dma_start3A_7 = tpu.memref_slice %arg4[%dma_start3A_4, %dma_start3A_5, %dma_start3A_6] : memref<32x520x1024xf32, #tpu.memory_space<any>> -> memref<1x512x1024xf32, #tpu.memory_space<any>>
    %dma_start3A_8 = tpu.memref_squeeze %dma_start3A_7 : memref<1x512x1024xf32, #tpu.memory_space<any>> -> memref<512x1024xf32, #tpu.memory_space<any>>
    tpu.enqueue_dma source(%arg2 : memref<512x1024xf32, #tpu.memory_space<vmem>>) target(%dma_start3A_8 : memref<512x1024xf32, #tpu.memory_space<any>>) target_semaphore(%arg5 : memref<!tpu.dma_semaphore, #tpu.memory_space<semaphore_mem>>)
    %dma_start3A_9 = arith.constant 18 : i32
    %dma_start3A_10 = arith.constant 0 : i32
    %dma_start3A_11 = arith.constant 0 : i32
    %dma_start3A_12 = tpu.memref_slice %arg4[%dma_start3A_9, %dma_start3A_10, %dma_start3A_11] : memref<32x520x1024xf32, #tpu.memory_space<any>> -> memref<1x512x1024xf32, #tpu.memory_space<any>>
    %dma_start3A_13 = tpu.memref_squeeze %dma_start3A_12 : memref<1x512x1024xf32, #tpu.memory_space<any>> -> memref<512x1024xf32, #tpu.memory_space<any>>
    tpu.enqueue_dma source(%arg2 : memref<512x1024xf32, #tpu.memory_space<vmem>>) target(%dma_start3A_13 : memref<512x1024xf32, #tpu.memory_space<any>>) target_semaphore(%arg5 : memref<!tpu.dma_semaphore, #tpu.memory_space<semaphore_mem>>)
    %dma_start3A_14 = arith.constant 19 : i32
    %dma_start3A_15 = arith.constant 0 : i32
    %dma_start3A_16 = arith.constant 0 : i32
    %dma_start3A_17 = tpu.memref_slice %arg4[%dma_start3A_14, %dma_start3A_15, %dma_start3A_16] : memref<32x520x1024xf32, #tpu.memory_space<any>> -> memref<1x512x1024xf32, #tpu.memory_space<any>>
    %dma_start3A_18 = tpu.memref_squeeze %dma_start3A_17 : memref<1x512x1024xf32, #tpu.memory_space<any>> -> memref<512x1024xf32, #tpu.memory_space<any>>
    tpu.enqueue_dma source(%arg2 : memref<512x1024xf32, #tpu.memory_space<vmem>>) target(%dma_start3A_18 : memref<512x1024xf32, #tpu.memory_space<any>>) target_semaphore(%arg5 : memref<!tpu.dma_semaphore, #tpu.memory_space<semaphore_mem>>)
    %dma_start3A_19 = arith.constant 20 : i32
    %dma_start3A_20 = arith.constant 0 : i32
    %dma_start3A_21 = arith.constant 0 : i32
    %dma_start3A_22 = tpu.memref_slice %arg4[%dma_start3A_19, %dma_start3A_20, %dma_start3A_21] : memref<32x520x1024xf32, #tpu.memory_space<any>> -> memref<1x512x1024xf32, #tpu.memory_space<any>>
    %dma_start3A_23 = tpu.memref_squeeze %dma_start3A_22 : memref<1x512x1024xf32, #tpu.memory_space<any>> -> memref<512x1024xf32, #tpu.memory_space<any>>
    tpu.enqueue_dma source(%arg2 : memref<512x1024xf32, #tpu.memory_space<vmem>>) target(%dma_start3A_23 : memref<512x1024xf32, #tpu.memory_space<any>>) target_semaphore(%arg5 : memref<!tpu.dma_semaphore, #tpu.memory_space<semaphore_mem>>)
    %dma_start3A_24 = arith.constant 21 : i32
    %dma_start3A_25 = arith.constant 0 : i32
    %dma_start3A_26 = arith.constant 0 : i32
    %dma_start3A_27 = tpu.memref_slice %arg4[%dma_start3A_24, %dma_start3A_25, %dma_start3A_26] : memref<32x520x1024xf32, #tpu.memory_space<any>> -> memref<1x512x1024xf32, #tpu.memory_space<any>>
    %dma_start3A_28 = tpu.memref_squeeze %dma_start3A_27 : memref<1x512x1024xf32, #tpu.memory_space<any>> -> memref<512x1024xf32, #tpu.memory_space<any>>
    tpu.enqueue_dma source(%arg2 : memref<512x1024xf32, #tpu.memory_space<vmem>>) target(%dma_start3A_28 : memref<512x1024xf32, #tpu.memory_space<any>>) target_semaphore(%arg5 : memref<!tpu.dma_semaphore, #tpu.memory_space<semaphore_mem>>)
    %dma_start3A_29 = arith.constant 22 : i32
    %dma_start3A_30 = arith.constant 0 : i32
    %dma_start3A_31 = arith.constant 0 : i32
    %dma_start3A_32 = tpu.memref_slice %arg4[%dma_start3A_29, %dma_start3A_30, %dma_start3A_31] : memref<32x520x1024xf32, #tpu.memory_space<any>> -> memref<1x512x1024xf32, #tpu.memory_space<any>>
    %dma_start3A_33 = tpu.memref_squeeze %dma_start3A_32 : memref<1x512x1024xf32, #tpu.memory_space<any>> -> memref<512x1024xf32, #tpu.memory_space<any>>
    tpu.enqueue_dma source(%arg2 : memref<512x1024xf32, #tpu.memory_space<vmem>>) target(%dma_start3A_33 : memref<512x1024xf32, #tpu.memory_space<any>>) target_semaphore(%arg5 : memref<!tpu.dma_semaphore, #tpu.memory_space<semaphore_mem>>)
    %dma_start3A_34 = arith.constant 23 : i32
    %dma_start3A_35 = arith.constant 0 : i32
    %dma_start3A_36 = arith.constant 0 : i32
    %dma_start3A_37 = tpu.memref_slice %arg4[%dma_start3A_34, %dma_start3A_35, %dma_start3A_36] : memref<32x520x1024xf32, #tpu.memory_space<any>> -> memref<1x512x1024xf32, #tpu.memory_space<any>>
    %dma_start3A_38 = tpu.memref_squeeze %dma_start3A_37 : memref<1x512x1024xf32, #tpu.memory_space<any>> -> memref<512x1024xf32, #tpu.memory_space<any>>
    tpu.enqueue_dma source(%arg2 : memref<512x1024xf32, #tpu.memory_space<vmem>>) target(%dma_start3A_38 : memref<512x1024xf32, #tpu.memory_space<any>>) target_semaphore(%arg5 : memref<!tpu.dma_semaphore, #tpu.memory_space<semaphore_mem>>)
    %dma_start3A_39 = arith.constant 24 : i32
    %dma_start3A_40 = arith.constant 0 : i32
    %dma_start3A_41 = arith.constant 0 : i32
    %dma_start3A_42 = tpu.memref_slice %arg4[%dma_start3A_39, %dma_start3A_40, %dma_start3A_41] : memref<32x520x1024xf32, #tpu.memory_space<any>> -> memref<1x512x1024xf32, #tpu.memory_space<any>>
    %dma_start3A_43 = tpu.memref_squeeze %dma_start3A_42 : memref<1x512x1024xf32, #tpu.memory_space<any>> -> memref<512x1024xf32, #tpu.memory_space<any>>
    tpu.enqueue_dma source(%arg2 : memref<512x1024xf32, #tpu.memory_space<vmem>>) target(%dma_start3A_43 : memref<512x1024xf32, #tpu.memory_space<any>>) target_semaphore(%arg5 : memref<!tpu.dma_semaphore, #tpu.memory_space<semaphore_mem>>)
    %dma_start3A_44 = arith.constant 25 : i32
    %dma_start3A_45 = arith.constant 0 : i32
    %dma_start3A_46 = arith.constant 0 : i32
    %dma_start3A_47 = tpu.memref_slice %arg4[%dma_start3A_44, %dma_start3A_45, %dma_start3A_46] : memref<32x520x1024xf32, #tpu.memory_space<any>> -> memref<1x512x1024xf32, #tpu.memory_space<any>>
    %dma_start3A_48 = tpu.memref_squeeze %dma_start3A_47 : memref<1x512x1024xf32, #tpu.memory_space<any>> -> memref<512x1024xf32, #tpu.memory_space<any>>
    tpu.enqueue_dma source(%arg2 : memref<512x1024xf32, #tpu.memory_space<vmem>>) target(%dma_start3A_48 : memref<512x1024xf32, #tpu.memory_space<any>>) target_semaphore(%arg5 : memref<!tpu.dma_semaphore, #tpu.memory_space<semaphore_mem>>)
    %dma_start3A_49 = arith.constant 26 : i32
    %dma_start3A_50 = arith.constant 0 : i32
    %dma_start3A_51 = arith.constant 0 : i32
    %dma_start3A_52 = tpu.memref_slice %arg4[%dma_start3A_49, %dma_start3A_50, %dma_start3A_51] : memref<32x520x1024xf32, #tpu.memory_space<any>> -> memref<1x512x1024xf32, #tpu.memory_space<any>>
    %dma_start3A_53 = tpu.memref_squeeze %dma_start3A_52 : memref<1x512x1024xf32, #tpu.memory_space<any>> -> memref<512x1024xf32, #tpu.memory_space<any>>
    tpu.enqueue_dma source(%arg2 : memref<512x1024xf32, #tpu.memory_space<vmem>>) target(%dma_start3A_53 : memref<512x1024xf32, #tpu.memory_space<any>>) target_semaphore(%arg5 : memref<!tpu.dma_semaphore, #tpu.memory_space<semaphore_mem>>)
    %dma_start3A_54 = arith.constant 27 : i32
    %dma_start3A_55 = arith.constant 0 : i32
    %dma_start3A_56 = arith.constant 0 : i32
    %dma_start3A_57 = tpu.memref_slice %arg4[%dma_start3A_54, %dma_start3A_55, %dma_start3A_56] : memref<32x520x1024xf32, #tpu.memory_space<any>> -> memref<1x512x1024xf32, #tpu.memory_space<any>>
    %dma_start3A_58 = tpu.memref_squeeze %dma_start3A_57 : memref<1x512x1024xf32, #tpu.memory_space<any>> -> memref<512x1024xf32, #tpu.memory_space<any>>
    tpu.enqueue_dma source(%arg2 : memref<512x1024xf32, #tpu.memory_space<vmem>>) target(%dma_start3A_58 : memref<512x1024xf32, #tpu.memory_space<any>>) target_semaphore(%arg5 : memref<!tpu.dma_semaphore, #tpu.memory_space<semaphore_mem>>)
    %dma_start3A_59 = arith.constant 28 : i32
    %dma_start3A_60 = arith.constant 0 : i32
    %dma_start3A_61 = arith.constant 0 : i32
    %dma_start3A_62 = tpu.memref_slice %arg4[%dma_start3A_59, %dma_start3A_60, %dma_start3A_61] : memref<32x520x1024xf32, #tpu.memory_space<any>> -> memref<1x512x1024xf32, #tpu.memory_space<any>>
    %dma_start3A_63 = tpu.memref_squeeze %dma_start3A_62 : memref<1x512x1024xf32, #tpu.memory_space<any>> -> memref<512x1024xf32, #tpu.memory_space<any>>
    tpu.enqueue_dma source(%arg2 : memref<512x1024xf32, #tpu.memory_space<vmem>>) target(%dma_start3A_63 : memref<512x1024xf32, #tpu.memory_space<any>>) target_semaphore(%arg5 : memref<!tpu.dma_semaphore, #tpu.memory_space<semaphore_mem>>)
    %dma_start3A_64 = arith.constant 29 : i32
    %dma_start3A_65 = arith.constant 0 : i32
    %dma_start3A_66 = arith.constant 0 : i32
    %dma_start3A_67 = tpu.memref_slice %arg4[%dma_start3A_64, %dma_start3A_65, %dma_start3A_66] : memref<32x520x1024xf32, #tpu.memory_space<any>> -> memref<1x512x1024xf32, #tpu.memory_space<any>>
    %dma_start3A_68 = tpu.memref_squeeze %dma_start3A_67 : memref<1x512x1024xf32, #tpu.memory_space<any>> -> memref<512x1024xf32, #tpu.memory_space<any>>
    tpu.enqueue_dma source(%arg2 : memref<512x1024xf32, #tpu.memory_space<vmem>>) target(%dma_start3A_68 : memref<512x1024xf32, #tpu.memory_space<any>>) target_semaphore(%arg5 : memref<!tpu.dma_semaphore, #tpu.memory_space<semaphore_mem>>)
    %dma_start3A_69 = arith.constant 30 : i32
    %dma_start3A_70 = arith.constant 0 : i32
    %dma_start3A_71 = arith.constant 0 : i32
    %dma_start3A_72 = tpu.memref_slice %arg4[%dma_start3A_69, %dma_start3A_70, %dma_start3A_71] : memref<32x520x1024xf32, #tpu.memory_space<any>> -> memref<1x512x1024xf32, #tpu.memory_space<any>>
    %dma_start3A_73 = tpu.memref_squeeze %dma_start3A_72 : memref<1x512x1024xf32, #tpu.memory_space<any>> -> memref<512x1024xf32, #tpu.memory_space<any>>
    tpu.enqueue_dma source(%arg2 : memref<512x1024xf32, #tpu.memory_space<vmem>>) target(%dma_start3A_73 : memref<512x1024xf32, #tpu.memory_space<any>>) target_semaphore(%arg5 : memref<!tpu.dma_semaphore, #tpu.memory_space<semaphore_mem>>)
    %dma_start3A_74 = arith.constant 31 : i32
    %dma_start3A_75 = arith.constant 0 : i32
    %dma_start3A_76 = arith.constant 0 : i32
    %dma_start3A_77 = tpu.memref_slice %arg4[%dma_start3A_74, %dma_start3A_75, %dma_start3A_76] : memref<32x520x1024xf32, #tpu.memory_space<any>> -> memref<1x512x1024xf32, #tpu.memory_space<any>>
    %dma_start3A_78 = tpu.memref_squeeze %dma_start3A_77 : memref<1x512x1024xf32, #tpu.memory_space<any>> -> memref<512x1024xf32, #tpu.memory_space<any>>
    tpu.enqueue_dma source(%arg2 : memref<512x1024xf32, #tpu.memory_space<vmem>>) target(%dma_start3A_78 : memref<512x1024xf32, #tpu.memory_space<any>>) target_semaphore(%arg5 : memref<!tpu.dma_semaphore, #tpu.memory_space<semaphore_mem>>)
    %dma_start3A_79 = arith.constant 0 : i32
    %dma_start3A_80 = arith.constant 512 : i32
    %dma_start3A_81 = arith.constant 0 : i32
    %dma_start3A_82 = tpu.memref_slice %arg4[%dma_start3A_79, %dma_start3A_80, %dma_start3A_81] : memref<32x520x1024xf32, #tpu.memory_space<any>> -> memref<1x8x1024xf32, #tpu.memory_space<any>>
    %dma_start3A_83 = tpu.memref_squeeze %dma_start3A_82 : memref<1x8x1024xf32, #tpu.memory_space<any>> -> memref<8x1024xf32, #tpu.memory_space<any>>
    tpu.enqueue_dma source(%arg3 : memref<8x1024xf32, #tpu.memory_space<vmem>>) target(%dma_start3A_83 : memref<8x1024xf32, #tpu.memory_space<any>>) target_semaphore(%arg5 : memref<!tpu.dma_semaphore, #tpu.memory_space<semaphore_mem>>)
    %dma_start3A_84 = arith.constant 1 : i32
    %dma_start3A_85 = arith.constant 512 : i32
    %dma_start3A_86 = arith.constant 0 : i32
    %dma_start3A_87 = tpu.memref_slice %arg4[%dma_start3A_84, %dma_start3A_85, %dma_start3A_86] : memref<32x520x1024xf32, #tpu.memory_space<any>> -> memref<1x8x1024xf32, #tpu.memory_space<any>>
    %dma_start3A_88 = tpu.memref_squeeze %dma_start3A_87 : memref<1x8x1024xf32, #tpu.memory_space<any>> -> memref<8x1024xf32, #tpu.memory_space<any>>
    tpu.enqueue_dma source(%arg3 : memref<8x1024xf32, #tpu.memory_space<vmem>>) target(%dma_start3A_88 : memref<8x1024xf32, #tpu.memory_space<any>>) target_semaphore(%arg5 : memref<!tpu.dma_semaphore, #tpu.memory_space<semaphore_mem>>)
    %dma_start3A_89 = arith.constant 2 : i32
    %dma_start3A_90 = arith.constant 512 : i32
    %dma_start3A_91 = arith.constant 0 : i32
    %dma_start3A_92 = tpu.memref_slice %arg4[%dma_start3A_89, %dma_start3A_90, %dma_start3A_91] : memref<32x520x1024xf32, #tpu.memory_space<any>> -> memref<1x8x1024xf32, #tpu.memory_space<any>>
    %dma_start3A_93 = tpu.memref_squeeze %dma_start3A_92 : memref<1x8x1024xf32, #tpu.memory_space<any>> -> memref<8x1024xf32, #tpu.memory_space<any>>
    tpu.enqueue_dma source(%arg3 : memref<8x1024xf32, #tpu.memory_space<vmem>>) target(%dma_start3A_93 : memref<8x1024xf32, #tpu.memory_space<any>>) target_semaphore(%arg5 : memref<!tpu.dma_semaphore, #tpu.memory_space<semaphore_mem>>)
    %dma_start3A_94 = arith.constant 3 : i32
    %dma_start3A_95 = arith.constant 512 : i32
    %dma_start3A_96 = arith.constant 0 : i32
    %dma_start3A_97 = tpu.memref_slice %arg4[%dma_start3A_94, %dma_start3A_95, %dma_start3A_96] : memref<32x520x1024xf32, #tpu.memory_space<any>> -> memref<1x8x1024xf32, #tpu.memory_space<any>>
    %dma_start3A_98 = tpu.memref_squeeze %dma_start3A_97 : memref<1x8x1024xf32, #tpu.memory_space<any>> -> memref<8x1024xf32, #tpu.memory_space<any>>
    tpu.enqueue_dma source(%arg3 : memref<8x1024xf32, #tpu.memory_space<vmem>>) target(%dma_start3A_98 : memref<8x1024xf32, #tpu.memory_space<any>>) target_semaphore(%arg5 : memref<!tpu.dma_semaphore, #tpu.memory_space<semaphore_mem>>)
    %dma_start3A_99 = arith.constant 4 : i32
    %dma_start3A_100 = arith.constant 512 : i32
    %dma_start3A_101 = arith.constant 0 : i32
    %dma_start3A_102 = tpu.memref_slice %arg4[%dma_start3A_99, %dma_start3A_100, %dma_start3A_101] : memref<32x520x1024xf32, #tpu.memory_space<any>> -> memref<1x8x1024xf32, #tpu.memory_space<any>>
    %dma_start3A_103 = tpu.memref_squeeze %dma_start3A_102 : memref<1x8x1024xf32, #tpu.memory_space<any>> -> memref<8x1024xf32, #tpu.memory_space<any>>
    tpu.enqueue_dma source(%arg3 : memref<8x1024xf32, #tpu.memory_space<vmem>>) target(%dma_start3A_103 : memref<8x1024xf32, #tpu.memory_space<any>>) target_semaphore(%arg5 : memref<!tpu.dma_semaphore, #tpu.memory_space<semaphore_mem>>)
    %dma_start3A_104 = arith.constant 5 : i32
    %dma_start3A_105 = arith.constant 512 : i32
    %dma_start3A_106 = arith.constant 0 : i32
    %dma_start3A_107 = tpu.memref_slice %arg4[%dma_start3A_104, %dma_start3A_105, %dma_start3A_106] : memref<32x520x1024xf32, #tpu.memory_space<any>> -> memref<1x8x1024xf32, #tpu.memory_space<any>>
    %dma_start3A_108 = tpu.memref_squeeze %dma_start3A_107 : memref<1x8x1024xf32, #tpu.memory_space<any>> -> memref<8x1024xf32, #tpu.memory_space<any>>
    tpu.enqueue_dma source(%arg3 : memref<8x1024xf32, #tpu.memory_space<vmem>>) target(%dma_start3A_108 : memref<8x1024xf32, #tpu.memory_space<any>>) target_semaphore(%arg5 : memref<!tpu.dma_semaphore, #tpu.memory_space<semaphore_mem>>)
    %dma_start3A_109 = arith.constant 6 : i32
    %dma_start3A_110 = arith.constant 512 : i32
    %dma_start3A_111 = arith.constant 0 : i32
    %dma_start3A_112 = tpu.memref_slice %arg4[%dma_start3A_109, %dma_start3A_110, %dma_start3A_111] : memref<32x520x1024xf32, #tpu.memory_space<any>> -> memref<1x8x1024xf32, #tpu.memory_space<any>>
    %dma_start3A_113 = tpu.memref_squeeze %dma_start3A_112 : memref<1x8x1024xf32, #tpu.memory_space<any>> -> memref<8x1024xf32, #tpu.memory_space<any>>
    tpu.enqueue_dma source(%arg3 : memref<8x1024xf32, #tpu.memory_space<vmem>>) target(%dma_start3A_113 : memref<8x1024xf32, #tpu.memory_space<any>>) target_semaphore(%arg5 : memref<!tpu.dma_semaphore, #tpu.memory_space<semaphore_mem>>)
    %dma_start3A_114 = arith.constant 7 : i32
    %dma_start3A_115 = arith.constant 512 : i32
    %dma_start3A_116 = arith.constant 0 : i32
    %dma_start3A_117 = tpu.memref_slice %arg4[%dma_start3A_114, %dma_start3A_115, %dma_start3A_116] : memref<32x520x1024xf32, #tpu.memory_space<any>> -> memref<1x8x1024xf32, #tpu.memory_space<any>>
    %dma_start3A_118 = tpu.memref_squeeze %dma_start3A_117 : memref<1x8x1024xf32, #tpu.memory_space<any>> -> memref<8x1024xf32, #tpu.memory_space<any>>
    tpu.enqueue_dma source(%arg3 : memref<8x1024xf32, #tpu.memory_space<vmem>>) target(%dma_start3A_118 : memref<8x1024xf32, #tpu.memory_space<any>>) target_semaphore(%arg5 : memref<!tpu.dma_semaphore, #tpu.memory_space<semaphore_mem>>)
    %dma_start3A_119 = arith.constant 8 : i32
    %dma_start3A_120 = arith.constant 512 : i32
    %dma_start3A_121 = arith.constant 0 : i32
    %dma_start3A_122 = tpu.memref_slice %arg4[%dma_start3A_119, %dma_start3A_120, %dma_start3A_121] : memref<32x520x1024xf32, #tpu.memory_space<any>> -> memref<1x8x1024xf32, #tpu.memory_space<any>>
    %dma_start3A_123 = tpu.memref_squeeze %dma_start3A_122 : memref<1x8x1024xf32, #tpu.memory_space<any>> -> memref<8x1024xf32, #tpu.memory_space<any>>
    tpu.enqueue_dma source(%arg3 : memref<8x1024xf32, #tpu.memory_space<vmem>>) target(%dma_start3A_123 : memref<8x1024xf32, #tpu.memory_space<any>>) target_semaphore(%arg5 : memref<!tpu.dma_semaphore, #tpu.memory_space<semaphore_mem>>)
    %dma_start3A_124 = arith.constant 9 : i32
    %dma_start3A_125 = arith.constant 512 : i32
    %dma_start3A_126 = arith.constant 0 : i32
    %dma_start3A_127 = tpu.memref_slice %arg4[%dma_start3A_124, %dma_start3A_125, %dma_start3A_126] : memref<32x520x1024xf32, #tpu.memory_space<any>> -> memref<1x8x1024xf32, #tpu.memory_space<any>>
    %dma_start3A_128 = tpu.memref_squeeze %dma_start3A_127 : memref<1x8x1024xf32, #tpu.memory_space<any>> -> memref<8x1024xf32, #tpu.memory_space<any>>
    tpu.enqueue_dma source(%arg3 : memref<8x1024xf32, #tpu.memory_space<vmem>>) target(%dma_start3A_128 : memref<8x1024xf32, #tpu.memory_space<any>>) target_semaphore(%arg5 : memref<!tpu.dma_semaphore, #tpu.memory_space<semaphore_mem>>)
    %dma_start3A_129 = arith.constant 10 : i32
    %dma_start3A_130 = arith.constant 512 : i32
    %dma_start3A_131 = arith.constant 0 : i32
    %dma_start3A_132 = tpu.memref_slice %arg4[%dma_start3A_129, %dma_start3A_130, %dma_start3A_131] : memref<32x520x1024xf32, #tpu.memory_space<any>> -> memref<1x8x1024xf32, #tpu.memory_space<any>>
    %dma_start3A_133 = tpu.memref_squeeze %dma_start3A_132 : memref<1x8x1024xf32, #tpu.memory_space<any>> -> memref<8x1024xf32, #tpu.memory_space<any>>
    tpu.enqueue_dma source(%arg3 : memref<8x1024xf32, #tpu.memory_space<vmem>>) target(%dma_start3A_133 : memref<8x1024xf32, #tpu.memory_space<any>>) target_semaphore(%arg5 : memref<!tpu.dma_semaphore, #tpu.memory_space<semaphore_mem>>)
    %dma_start3A_134 = arith.constant 11 : i32
    %dma_start3A_135 = arith.constant 512 : i32
    %dma_start3A_136 = arith.constant 0 : i32
    %dma_start3A_137 = tpu.memref_slice %arg4[%dma_start3A_134, %dma_start3A_135, %dma_start3A_136] : memref<32x520x1024xf32, #tpu.memory_space<any>> -> memref<1x8x1024xf32, #tpu.memory_space<any>>
    %dma_start3A_138 = tpu.memref_squeeze %dma_start3A_137 : memref<1x8x1024xf32, #tpu.memory_space<any>> -> memref<8x1024xf32, #tpu.memory_space<any>>
    tpu.enqueue_dma source(%arg3 : memref<8x1024xf32, #tpu.memory_space<vmem>>) target(%dma_start3A_138 : memref<8x1024xf32, #tpu.memory_space<any>>) target_semaphore(%arg5 : memref<!tpu.dma_semaphore, #tpu.memory_space<semaphore_mem>>)
    %dma_start3A_139 = arith.constant 12 : i32
    %dma_start3A_140 = arith.constant 512 : i32
    %dma_start3A_141 = arith.constant 0 : i32
    %dma_start3A_142 = tpu.memref_slice %arg4[%dma_start3A_139, %dma_start3A_140, %dma_start3A_141] : memref<32x520x1024xf32, #tpu.memory_space<any>> -> memref<1x8x1024xf32, #tpu.memory_space<any>>
    %dma_start3A_143 = tpu.memref_squeeze %dma_start3A_142 : memref<1x8x1024xf32, #tpu.memory_space<any>> -> memref<8x1024xf32, #tpu.memory_space<any>>
    tpu.enqueue_dma source(%arg3 : memref<8x1024xf32, #tpu.memory_space<vmem>>) target(%dma_start3A_143 : memref<8x1024xf32, #tpu.memory_space<any>>) target_semaphore(%arg5 : memref<!tpu.dma_semaphore, #tpu.memory_space<semaphore_mem>>)
    %dma_start3A_144 = arith.constant 13 : i32
    %dma_start3A_145 = arith.constant 512 : i32
    %dma_start3A_146 = arith.constant 0 : i32
    %dma_start3A_147 = tpu.memref_slice %arg4[%dma_start3A_144, %dma_start3A_145, %dma_start3A_146] : memref<32x520x1024xf32, #tpu.memory_space<any>> -> memref<1x8x1024xf32, #tpu.memory_space<any>>
    %dma_start3A_148 = tpu.memref_squeeze %dma_start3A_147 : memref<1x8x1024xf32, #tpu.memory_space<any>> -> memref<8x1024xf32, #tpu.memory_space<any>>
    tpu.enqueue_dma source(%arg3 : memref<8x1024xf32, #tpu.memory_space<vmem>>) target(%dma_start3A_148 : memref<8x1024xf32, #tpu.memory_space<any>>) target_semaphore(%arg5 : memref<!tpu.dma_semaphore, #tpu.memory_space<semaphore_mem>>)
    %dma_start3A_149 = arith.constant 14 : i32
    %dma_start3A_150 = arith.constant 512 : i32
    %dma_start3A_151 = arith.constant 0 : i32
    %dma_start3A_152 = tpu.memref_slice %arg4[%dma_start3A_149, %dma_start3A_150, %dma_start3A_151] : memref<32x520x1024xf32, #tpu.memory_space<any>> -> memref<1x8x1024xf32, #tpu.memory_space<any>>
    %dma_start3A_153 = tpu.memref_squeeze %dma_start3A_152 : memref<1x8x1024xf32, #tpu.memory_space<any>> -> memref<8x1024xf32, #tpu.memory_space<any>>
    tpu.enqueue_dma source(%arg3 : memref<8x1024xf32, #tpu.memory_space<vmem>>) target(%dma_start3A_153 : memref<8x1024xf32, #tpu.memory_space<any>>) target_semaphore(%arg5 : memref<!tpu.dma_semaphore, #tpu.memory_space<semaphore_mem>>)
    %dma_start3A_154 = arith.constant 15 : i32
    %dma_start3A_155 = arith.constant 512 : i32
    %dma_start3A_156 = arith.constant 0 : i32
    %dma_start3A_157 = tpu.memref_slice %arg4[%dma_start3A_154, %dma_start3A_155, %dma_start3A_156] : memref<32x520x1024xf32, #tpu.memory_space<any>> -> memref<1x8x1024xf32, #tpu.memory_space<any>>
    %dma_start3A_158 = tpu.memref_squeeze %dma_start3A_157 : memref<1x8x1024xf32, #tpu.memory_space<any>> -> memref<8x1024xf32, #tpu.memory_space<any>>
    tpu.enqueue_dma source(%arg3 : memref<8x1024xf32, #tpu.memory_space<vmem>>) target(%dma_start3A_158 : memref<8x1024xf32, #tpu.memory_space<any>>) target_semaphore(%arg5 : memref<!tpu.dma_semaphore, #tpu.memory_space<semaphore_mem>>)
    %dma_start3A_159 = arith.constant 16 : i32
    %dma_start3A_160 = arith.constant 512 : i32
    %dma_start3A_161 = arith.constant 0 : i32
    %dma_start3A_162 = tpu.memref_slice %arg4[%dma_start3A_159, %dma_start3A_160, %dma_start3A_161] : memref<32x520x1024xf32, #tpu.memory_space<any>> -> memref<1x8x1024xf32, #tpu.memory_space<any>>
    %dma_start3A_163 = tpu.memref_squeeze %dma_start3A_162 : memref<1x8x1024xf32, #tpu.memory_space<any>> -> memref<8x1024xf32, #tpu.memory_space<any>>
    tpu.enqueue_dma source(%arg3 : memref<8x1024xf32, #tpu.memory_space<vmem>>) target(%dma_start3A_163 : memref<8x1024xf32, #tpu.memory_space<any>>) target_semaphore(%arg5 : memref<!tpu.dma_semaphore, #tpu.memory_space<semaphore_mem>>)
    %dma_start3A_164 = arith.constant 17 : i32
    %dma_start3A_165 = arith.constant 512 : i32
    %dma_start3A_166 = arith.constant 0 : i32
    %dma_start3A_167 = tpu.memref_slice %arg4[%dma_start3A_164, %dma_start3A_165, %dma_start3A_166] : memref<32x520x1024xf32, #tpu.memory_space<any>> -> memref<1x8x1024xf32, #tpu.memory_space<any>>
    %dma_start3A_168 = tpu.memref_squeeze %dma_start3A_167 : memref<1x8x1024xf32, #tpu.memory_space<any>> -> memref<8x1024xf32, #tpu.memory_space<any>>
    tpu.enqueue_dma source(%arg3 : memref<8x1024xf32, #tpu.memory_space<vmem>>) target(%dma_start3A_168 : memref<8x1024xf32, #tpu.memory_space<any>>) target_semaphore(%arg5 : memref<!tpu.dma_semaphore, #tpu.memory_space<semaphore_mem>>)
    %dma_start3A_169 = arith.constant 18 : i32
    %dma_start3A_170 = arith.constant 512 : i32
    %dma_start3A_171 = arith.constant 0 : i32
    %dma_start3A_172 = tpu.memref_slice %arg4[%dma_start3A_169, %dma_start3A_170, %dma_start3A_171] : memref<32x520x1024xf32, #tpu.memory_space<any>> -> memref<1x8x1024xf32, #tpu.memory_space<any>>
    %dma_start3A_173 = tpu.memref_squeeze %dma_start3A_172 : memref<1x8x1024xf32, #tpu.memory_space<any>> -> memref<8x1024xf32, #tpu.memory_space<any>>
    tpu.enqueue_dma source(%arg3 : memref<8x1024xf32, #tpu.memory_space<vmem>>) target(%dma_start3A_173 : memref<8x1024xf32, #tpu.memory_space<any>>) target_semaphore(%arg5 : memref<!tpu.dma_semaphore, #tpu.memory_space<semaphore_mem>>)
    %dma_start3A_174 = arith.constant 19 : i32
    %dma_start3A_175 = arith.constant 512 : i32
    %dma_start3A_176 = arith.constant 0 : i32
    %dma_start3A_177 = tpu.memref_slice %arg4[%dma_start3A_174, %dma_start3A_175, %dma_start3A_176] : memref<32x520x1024xf32, #tpu.memory_space<any>> -> memref<1x8x1024xf32, #tpu.memory_space<any>>
    %dma_start3A_178 = tpu.memref_squeeze %dma_start3A_177 : memref<1x8x1024xf32, #tpu.memory_space<any>> -> memref<8x1024xf32, #tpu.memory_space<any>>
    tpu.enqueue_dma source(%arg3 : memref<8x1024xf32, #tpu.memory_space<vmem>>) target(%dma_start3A_178 : memref<8x1024xf32, #tpu.memory_space<any>>) target_semaphore(%arg5 : memref<!tpu.dma_semaphore, #tpu.memory_space<semaphore_mem>>)
    %dma_start3A_179 = arith.constant 20 : i32
    %dma_start3A_180 = arith.constant 512 : i32
    %dma_start3A_181 = arith.constant 0 : i32
    %dma_start3A_182 = tpu.memref_slice %arg4[%dma_start3A_179, %dma_start3A_180, %dma_start3A_181] : memref<32x520x1024xf32, #tpu.memory_space<any>> -> memref<1x8x1024xf32, #tpu.memory_space<any>>
    %dma_start3A_183 = tpu.memref_squeeze %dma_start3A_182 : memref<1x8x1024xf32, #tpu.memory_space<any>> -> memref<8x1024xf32, #tpu.memory_space<any>>
    tpu.enqueue_dma source(%arg3 : memref<8x1024xf32, #tpu.memory_space<vmem>>) target(%dma_start3A_183 : memref<8x1024xf32, #tpu.memory_space<any>>) target_semaphore(%arg5 : memref<!tpu.dma_semaphore, #tpu.memory_space<semaphore_mem>>)
    %dma_start3A_184 = arith.constant 21 : i32
    %dma_start3A_185 = arith.constant 512 : i32
    %dma_start3A_186 = arith.constant 0 : i32
    %dma_start3A_187 = tpu.memref_slice %arg4[%dma_start3A_184, %dma_start3A_185, %dma_start3A_186] : memref<32x520x1024xf32, #tpu.memory_space<any>> -> memref<1x8x1024xf32, #tpu.memory_space<any>>
    %dma_start3A_188 = tpu.memref_squeeze %dma_start3A_187 : memref<1x8x1024xf32, #tpu.memory_space<any>> -> memref<8x1024xf32, #tpu.memory_space<any>>
    tpu.enqueue_dma source(%arg3 : memref<8x1024xf32, #tpu.memory_space<vmem>>) target(%dma_start3A_188 : memref<8x1024xf32, #tpu.memory_space<any>>) target_semaphore(%arg5 : memref<!tpu.dma_semaphore, #tpu.memory_space<semaphore_mem>>)
    %dma_start3A_189 = arith.constant 22 : i32
    %dma_start3A_190 = arith.constant 512 : i32
    %dma_start3A_191 = arith.constant 0 : i32
    %dma_start3A_192 = tpu.memref_slice %arg4[%dma_start3A_189, %dma_start3A_190, %dma_start3A_191] : memref<32x520x1024xf32, #tpu.memory_space<any>> -> memref<1x8x1024xf32, #tpu.memory_space<any>>
    %dma_start3A_193 = tpu.memref_squeeze %dma_start3A_192 : memref<1x8x1024xf32, #tpu.memory_space<any>> -> memref<8x1024xf32, #tpu.memory_space<any>>
    tpu.enqueue_dma source(%arg3 : memref<8x1024xf32, #tpu.memory_space<vmem>>) target(%dma_start3A_193 : memref<8x1024xf32, #tpu.memory_space<any>>) target_semaphore(%arg5 : memref<!tpu.dma_semaphore, #tpu.memory_space<semaphore_mem>>)
    %dma_start3A_194 = arith.constant 23 : i32
    %dma_start3A_195 = arith.constant 512 : i32
    %dma_start3A_196 = arith.constant 0 : i32
    %dma_start3A_197 = tpu.memref_slice %arg4[%dma_start3A_194, %dma_start3A_195, %dma_start3A_196] : memref<32x520x1024xf32, #tpu.memory_space<any>> -> memref<1x8x1024xf32, #tpu.memory_space<any>>
    %dma_start3A_198 = tpu.memref_squeeze %dma_start3A_197 : memref<1x8x1024xf32, #tpu.memory_space<any>> -> memref<8x1024xf32, #tpu.memory_space<any>>
    tpu.enqueue_dma source(%arg3 : memref<8x1024xf32, #tpu.memory_space<vmem>>) target(%dma_start3A_198 : memref<8x1024xf32, #tpu.memory_space<any>>) target_semaphore(%arg5 : memref<!tpu.dma_semaphore, #tpu.memory_space<semaphore_mem>>)
    %dma_start3A_199 = arith.constant 24 : i32
    %dma_start3A_200 = arith.constant 512 : i32
    %dma_start3A_201 = arith.constant 0 : i32
    %dma_start3A_202 = tpu.memref_slice %arg4[%dma_start3A_199, %dma_start3A_200, %dma_start3A_201] : memref<32x520x1024xf32, #tpu.memory_space<any>> -> memref<1x8x1024xf32, #tpu.memory_space<any>>
    %dma_start3A_203 = tpu.memref_squeeze %dma_start3A_202 : memref<1x8x1024xf32, #tpu.memory_space<any>> -> memref<8x1024xf32, #tpu.memory_space<any>>
    tpu.enqueue_dma source(%arg3 : memref<8x1024xf32, #tpu.memory_space<vmem>>) target(%dma_start3A_203 : memref<8x1024xf32, #tpu.memory_space<any>>) target_semaphore(%arg5 : memref<!tpu.dma_semaphore, #tpu.memory_space<semaphore_mem>>)
    %dma_start3A_204 = arith.constant 25 : i32
    %dma_start3A_205 = arith.constant 512 : i32
    %dma_start3A_206 = arith.constant 0 : i32
    %dma_start3A_207 = tpu.memref_slice %arg4[%dma_start3A_204, %dma_start3A_205, %dma_start3A_206] : memref<32x520x1024xf32, #tpu.memory_space<any>> -> memref<1x8x1024xf32, #tpu.memory_space<any>>
    %dma_start3A_208 = tpu.memref_squeeze %dma_start3A_207 : memref<1x8x1024xf32, #tpu.memory_space<any>> -> memref<8x1024xf32, #tpu.memory_space<any>>
    tpu.enqueue_dma source(%arg3 : memref<8x1024xf32, #tpu.memory_space<vmem>>) target(%dma_start3A_208 : memref<8x1024xf32, #tpu.memory_space<any>>) target_semaphore(%arg5 : memref<!tpu.dma_semaphore, #tpu.memory_space<semaphore_mem>>)
    %dma_start3A_209 = arith.constant 26 : i32
    %dma_start3A_210 = arith.constant 512 : i32
    %dma_start3A_211 = arith.constant 0 : i32
    %dma_start3A_212 = tpu.memref_slice %arg4[%dma_start3A_209, %dma_start3A_210, %dma_start3A_211] : memref<32x520x1024xf32, #tpu.memory_space<any>> -> memref<1x8x1024xf32, #tpu.memory_space<any>>
    %dma_start3A_213 = tpu.memref_squeeze %dma_start3A_212 : memref<1x8x1024xf32, #tpu.memory_space<any>> -> memref<8x1024xf32, #tpu.memory_space<any>>
    tpu.enqueue_dma source(%arg3 : memref<8x1024xf32, #tpu.memory_space<vmem>>) target(%dma_start3A_213 : memref<8x1024xf32, #tpu.memory_space<any>>) target_semaphore(%arg5 : memref<!tpu.dma_semaphore, #tpu.memory_space<semaphore_mem>>)
    %dma_start3A_214 = arith.constant 27 : i32
    %dma_start3A_215 = arith.constant 512 : i32
    %dma_start3A_216 = arith.constant 0 : i32
    %dma_start3A_217 = tpu.memref_slice %arg4[%dma_start3A_214, %dma_start3A_215, %dma_start3A_216] : memref<32x520x1024xf32, #tpu.memory_space<any>> -> memref<1x8x1024xf32, #tpu.memory_space<any>>
    %dma_start3A_218 = tpu.memref_squeeze %dma_start3A_217 : memref<1x8x1024xf32, #tpu.memory_space<any>> -> memref<8x1024xf32, #tpu.memory_space<any>>
    tpu.enqueue_dma source(%arg3 : memref<8x1024xf32, #tpu.memory_space<vmem>>) target(%dma_start3A_218 : memref<8x1024xf32, #tpu.memory_space<any>>) target_semaphore(%arg5 : memref<!tpu.dma_semaphore, #tpu.memory_space<semaphore_mem>>)
    %dma_start3A_219 = arith.constant 28 : i32
    %dma_start3A_220 = arith.constant 512 : i32
    %dma_start3A_221 = arith.constant 0 : i32
    %dma_start3A_222 = tpu.memref_slice %arg4[%dma_start3A_219, %dma_start3A_220, %dma_start3A_221] : memref<32x520x1024xf32, #tpu.memory_space<any>> -> memref<1x8x1024xf32, #tpu.memory_space<any>>
    %dma_start3A_223 = tpu.memref_squeeze %dma_start3A_222 : memref<1x8x1024xf32, #tpu.memory_space<any>> -> memref<8x1024xf32, #tpu.memory_space<any>>
    tpu.enqueue_dma source(%arg3 : memref<8x1024xf32, #tpu.memory_space<vmem>>) target(%dma_start3A_223 : memref<8x1024xf32, #tpu.memory_space<any>>) target_semaphore(%arg5 : memref<!tpu.dma_semaphore, #tpu.memory_space<semaphore_mem>>)
    %dma_start3A_224 = arith.constant 29 : i32
    %dma_start3A_225 = arith.constant 512 : i32
    %dma_start3A_226 = arith.constant 0 : i32
    %dma_start3A_227 = tpu.memref_slice %arg4[%dma_start3A_224, %dma_start3A_225, %dma_start3A_226] : memref<32x520x1024xf32, #tpu.memory_space<any>> -> memref<1x8x1024xf32, #tpu.memory_space<any>>
    %dma_start3A_228 = tpu.memref_squeeze %dma_start3A_227 : memref<1x8x1024xf32, #tpu.memory_space<any>> -> memref<8x1024xf32, #tpu.memory_space<any>>
    tpu.enqueue_dma source(%arg3 : memref<8x1024xf32, #tpu.memory_space<vmem>>) target(%dma_start3A_228 : memref<8x1024xf32, #tpu.memory_space<any>>) target_semaphore(%arg5 : memref<!tpu.dma_semaphore, #tpu.memory_space<semaphore_mem>>)
    %dma_start3A_229 = arith.constant 30 : i32
    %dma_start3A_230 = arith.constant 512 : i32
    %dma_start3A_231 = arith.constant 0 : i32
    %dma_start3A_232 = tpu.memref_slice %arg4[%dma_start3A_229, %dma_start3A_230, %dma_start3A_231] : memref<32x520x1024xf32, #tpu.memory_space<any>> -> memref<1x8x1024xf32, #tpu.memory_space<any>>
    %dma_start3A_233 = tpu.memref_squeeze %dma_start3A_232 : memref<1x8x1024xf32, #tpu.memory_space<any>> -> memref<8x1024xf32, #tpu.memory_space<any>>
    tpu.enqueue_dma source(%arg3 : memref<8x1024xf32, #tpu.memory_space<vmem>>) target(%dma_start3A_233 : memref<8x1024xf32, #tpu.memory_space<any>>) target_semaphore(%arg5 : memref<!tpu.dma_semaphore, #tpu.memory_space<semaphore_mem>>)
    %dma_start3A_234 = arith.constant 31 : i32
    %dma_start3A_235 = arith.constant 512 : i32
    %dma_start3A_236 = arith.constant 0 : i32
    %dma_start3A_237 = tpu.memref_slice %arg4[%dma_start3A_234, %dma_start3A_235, %dma_start3A_236] : memref<32x520x1024xf32, #tpu.memory_space<any>> -> memref<1x8x1024xf32, #tpu.memory_space<any>>
    %dma_start3A_238 = tpu.memref_squeeze %dma_start3A_237 : memref<1x8x1024xf32, #tpu.memory_space<any>> -> memref<8x1024xf32, #tpu.memory_space<any>>
    tpu.enqueue_dma source(%arg3 : memref<8x1024xf32, #tpu.memory_space<vmem>>) target(%dma_start3A_238 : memref<8x1024xf32, #tpu.memory_space<any>>) target_semaphore(%arg5 : memref<!tpu.dma_semaphore, #tpu.memory_space<semaphore_mem>>)
    %dma_wait3A = arith.constant 16 : i32
    %dma_wait3A_239 = arith.constant 0 : i32
    %dma_wait3A_240 = arith.constant 0 : i32
    %dma_wait3A_241 = tpu.memref_slice %arg4[%dma_wait3A, %dma_wait3A_239, %dma_wait3A_240] : memref<32x520x1024xf32, #tpu.memory_space<any>> -> memref<1x512x1024xf32, #tpu.memory_space<any>>
    %dma_wait3A_242 = tpu.memref_squeeze %dma_wait3A_241 : memref<1x512x1024xf32, #tpu.memory_space<any>> -> memref<512x1024xf32, #tpu.memory_space<any>>
    tpu.wait_dma2 semaphore(%arg5 : memref<!tpu.dma_semaphore, #tpu.memory_space<semaphore_mem>>) src(%arg2 : memref<512x1024xf32, #tpu.memory_space<vmem>>) dst(%dma_wait3A_242 : memref<512x1024xf32, #tpu.memory_space<any>>)
    %dma_wait3A_243 = arith.constant 17 : i32
    %dma_wait3A_244 = arith.constant 0 : i32
    %dma_wait3A_245 = arith.constant 0 : i32
    %dma_wait3A_246 = tpu.memref_slice %arg4[%dma_wait3A_243, %dma_wait3A_244, %dma_wait3A_245] : memref<32x520x1024xf32, #tpu.memory_space<any>> -> memref<1x512x1024xf32, #tpu.memory_space<any>>
    %dma_wait3A_247 = tpu.memref_squeeze %dma_wait3A_246 : memref<1x512x1024xf32, #tpu.memory_space<any>> -> memref<512x1024xf32, #tpu.memory_space<any>>
    tpu.wait_dma2 semaphore(%arg5 : memref<!tpu.dma_semaphore, #tpu.memory_space<semaphore_mem>>) src(%arg2 : memref<512x1024xf32, #tpu.memory_space<vmem>>) dst(%dma_wait3A_247 : memref<512x1024xf32, #tpu.memory_space<any>>)
    %dma_wait3A_248 = arith.constant 18 : i32
    %dma_wait3A_249 = arith.constant 0 : i32
    %dma_wait3A_250 = arith.constant 0 : i32
    %dma_wait3A_251 = tpu.memref_slice %arg4[%dma_wait3A_248, %dma_wait3A_249, %dma_wait3A_250] : memref<32x520x1024xf32, #tpu.memory_space<any>> -> memref<1x512x1024xf32, #tpu.memory_space<any>>
    %dma_wait3A_252 = tpu.memref_squeeze %dma_wait3A_251 : memref<1x512x1024xf32, #tpu.memory_space<any>> -> memref<512x1024xf32, #tpu.memory_space<any>>
    tpu.wait_dma2 semaphore(%arg5 : memref<!tpu.dma_semaphore, #tpu.memory_space<semaphore_mem>>) src(%arg2 : memref<512x1024xf32, #tpu.memory_space<vmem>>) dst(%dma_wait3A_252 : memref<512x1024xf32, #tpu.memory_space<any>>)
    %dma_wait3A_253 = arith.constant 19 : i32
    %dma_wait3A_254 = arith.constant 0 : i32
    %dma_wait3A_255 = arith.constant 0 : i32
    %dma_wait3A_256 = tpu.memref_slice %arg4[%dma_wait3A_253, %dma_wait3A_254, %dma_wait3A_255] : memref<32x520x1024xf32, #tpu.memory_space<any>> -> memref<1x512x1024xf32, #tpu.memory_space<any>>
    %dma_wait3A_257 = tpu.memref_squeeze %dma_wait3A_256 : memref<1x512x1024xf32, #tpu.memory_space<any>> -> memref<512x1024xf32, #tpu.memory_space<any>>
    tpu.wait_dma2 semaphore(%arg5 : memref<!tpu.dma_semaphore, #tpu.memory_space<semaphore_mem>>) src(%arg2 : memref<512x1024xf32, #tpu.memory_space<vmem>>) dst(%dma_wait3A_257 : memref<512x1024xf32, #tpu.memory_space<any>>)
    %dma_wait3A_258 = arith.constant 20 : i32
    %dma_wait3A_259 = arith.constant 0 : i32
    %dma_wait3A_260 = arith.constant 0 : i32
    %dma_wait3A_261 = tpu.memref_slice %arg4[%dma_wait3A_258, %dma_wait3A_259, %dma_wait3A_260] : memref<32x520x1024xf32, #tpu.memory_space<any>> -> memref<1x512x1024xf32, #tpu.memory_space<any>>
    %dma_wait3A_262 = tpu.memref_squeeze %dma_wait3A_261 : memref<1x512x1024xf32, #tpu.memory_space<any>> -> memref<512x1024xf32, #tpu.memory_space<any>>
    tpu.wait_dma2 semaphore(%arg5 : memref<!tpu.dma_semaphore, #tpu.memory_space<semaphore_mem>>) src(%arg2 : memref<512x1024xf32, #tpu.memory_space<vmem>>) dst(%dma_wait3A_262 : memref<512x1024xf32, #tpu.memory_space<any>>)
    %dma_wait3A_263 = arith.constant 21 : i32
    %dma_wait3A_264 = arith.constant 0 : i32
    %dma_wait3A_265 = arith.constant 0 : i32
    %dma_wait3A_266 = tpu.memref_slice %arg4[%dma_wait3A_263, %dma_wait3A_264, %dma_wait3A_265] : memref<32x520x1024xf32, #tpu.memory_space<any>> -> memref<1x512x1024xf32, #tpu.memory_space<any>>
    %dma_wait3A_267 = tpu.memref_squeeze %dma_wait3A_266 : memref<1x512x1024xf32, #tpu.memory_space<any>> -> memref<512x1024xf32, #tpu.memory_space<any>>
    tpu.wait_dma2 semaphore(%arg5 : memref<!tpu.dma_semaphore, #tpu.memory_space<semaphore_mem>>) src(%arg2 : memref<512x1024xf32, #tpu.memory_space<vmem>>) dst(%dma_wait3A_267 : memref<512x1024xf32, #tpu.memory_space<any>>)
    %dma_wait3A_268 = arith.constant 22 : i32
    %dma_wait3A_269 = arith.constant 0 : i32
    %dma_wait3A_270 = arith.constant 0 : i32
    %dma_wait3A_271 = tpu.memref_slice %arg4[%dma_wait3A_268, %dma_wait3A_269, %dma_wait3A_270] : memref<32x520x1024xf32, #tpu.memory_space<any>> -> memref<1x512x1024xf32, #tpu.memory_space<any>>
    %dma_wait3A_272 = tpu.memref_squeeze %dma_wait3A_271 : memref<1x512x1024xf32, #tpu.memory_space<any>> -> memref<512x1024xf32, #tpu.memory_space<any>>
    tpu.wait_dma2 semaphore(%arg5 : memref<!tpu.dma_semaphore, #tpu.memory_space<semaphore_mem>>) src(%arg2 : memref<512x1024xf32, #tpu.memory_space<vmem>>) dst(%dma_wait3A_272 : memref<512x1024xf32, #tpu.memory_space<any>>)
    %dma_wait3A_273 = arith.constant 23 : i32
    %dma_wait3A_274 = arith.constant 0 : i32
    %dma_wait3A_275 = arith.constant 0 : i32
    %dma_wait3A_276 = tpu.memref_slice %arg4[%dma_wait3A_273, %dma_wait3A_274, %dma_wait3A_275] : memref<32x520x1024xf32, #tpu.memory_space<any>> -> memref<1x512x1024xf32, #tpu.memory_space<any>>
    %dma_wait3A_277 = tpu.memref_squeeze %dma_wait3A_276 : memref<1x512x1024xf32, #tpu.memory_space<any>> -> memref<512x1024xf32, #tpu.memory_space<any>>
    tpu.wait_dma2 semaphore(%arg5 : memref<!tpu.dma_semaphore, #tpu.memory_space<semaphore_mem>>) src(%arg2 : memref<512x1024xf32, #tpu.memory_space<vmem>>) dst(%dma_wait3A_277 : memref<512x1024xf32, #tpu.memory_space<any>>)
    %dma_wait3A_278 = arith.constant 24 : i32
    %dma_wait3A_279 = arith.constant 0 : i32
    %dma_wait3A_280 = arith.constant 0 : i32
    %dma_wait3A_281 = tpu.memref_slice %arg4[%dma_wait3A_278, %dma_wait3A_279, %dma_wait3A_280] : memref<32x520x1024xf32, #tpu.memory_space<any>> -> memref<1x512x1024xf32, #tpu.memory_space<any>>
    %dma_wait3A_282 = tpu.memref_squeeze %dma_wait3A_281 : memref<1x512x1024xf32, #tpu.memory_space<any>> -> memref<512x1024xf32, #tpu.memory_space<any>>
    tpu.wait_dma2 semaphore(%arg5 : memref<!tpu.dma_semaphore, #tpu.memory_space<semaphore_mem>>) src(%arg2 : memref<512x1024xf32, #tpu.memory_space<vmem>>) dst(%dma_wait3A_282 : memref<512x1024xf32, #tpu.memory_space<any>>)
    %dma_wait3A_283 = arith.constant 25 : i32
    %dma_wait3A_284 = arith.constant 0 : i32
    %dma_wait3A_285 = arith.constant 0 : i32
    %dma_wait3A_286 = tpu.memref_slice %arg4[%dma_wait3A_283, %dma_wait3A_284, %dma_wait3A_285] : memref<32x520x1024xf32, #tpu.memory_space<any>> -> memref<1x512x1024xf32, #tpu.memory_space<any>>
    %dma_wait3A_287 = tpu.memref_squeeze %dma_wait3A_286 : memref<1x512x1024xf32, #tpu.memory_space<any>> -> memref<512x1024xf32, #tpu.memory_space<any>>
    tpu.wait_dma2 semaphore(%arg5 : memref<!tpu.dma_semaphore, #tpu.memory_space<semaphore_mem>>) src(%arg2 : memref<512x1024xf32, #tpu.memory_space<vmem>>) dst(%dma_wait3A_287 : memref<512x1024xf32, #tpu.memory_space<any>>)
    %dma_wait3A_288 = arith.constant 26 : i32
    %dma_wait3A_289 = arith.constant 0 : i32
    %dma_wait3A_290 = arith.constant 0 : i32
    %dma_wait3A_291 = tpu.memref_slice %arg4[%dma_wait3A_288, %dma_wait3A_289, %dma_wait3A_290] : memref<32x520x1024xf32, #tpu.memory_space<any>> -> memref<1x512x1024xf32, #tpu.memory_space<any>>
    %dma_wait3A_292 = tpu.memref_squeeze %dma_wait3A_291 : memref<1x512x1024xf32, #tpu.memory_space<any>> -> memref<512x1024xf32, #tpu.memory_space<any>>
    tpu.wait_dma2 semaphore(%arg5 : memref<!tpu.dma_semaphore, #tpu.memory_space<semaphore_mem>>) src(%arg2 : memref<512x1024xf32, #tpu.memory_space<vmem>>) dst(%dma_wait3A_292 : memref<512x1024xf32, #tpu.memory_space<any>>)
    %dma_wait3A_293 = arith.constant 27 : i32
    %dma_wait3A_294 = arith.constant 0 : i32
    %dma_wait3A_295 = arith.constant 0 : i32
    %dma_wait3A_296 = tpu.memref_slice %arg4[%dma_wait3A_293, %dma_wait3A_294, %dma_wait3A_295] : memref<32x520x1024xf32, #tpu.memory_space<any>> -> memref<1x512x1024xf32, #tpu.memory_space<any>>
    %dma_wait3A_297 = tpu.memref_squeeze %dma_wait3A_296 : memref<1x512x1024xf32, #tpu.memory_space<any>> -> memref<512x1024xf32, #tpu.memory_space<any>>
    tpu.wait_dma2 semaphore(%arg5 : memref<!tpu.dma_semaphore, #tpu.memory_space<semaphore_mem>>) src(%arg2 : memref<512x1024xf32, #tpu.memory_space<vmem>>) dst(%dma_wait3A_297 : memref<512x1024xf32, #tpu.memory_space<any>>)
    %dma_wait3A_298 = arith.constant 28 : i32
    %dma_wait3A_299 = arith.constant 0 : i32
    %dma_wait3A_300 = arith.constant 0 : i32
    %dma_wait3A_301 = tpu.memref_slice %arg4[%dma_wait3A_298, %dma_wait3A_299, %dma_wait3A_300] : memref<32x520x1024xf32, #tpu.memory_space<any>> -> memref<1x512x1024xf32, #tpu.memory_space<any>>
    %dma_wait3A_302 = tpu.memref_squeeze %dma_wait3A_301 : memref<1x512x1024xf32, #tpu.memory_space<any>> -> memref<512x1024xf32, #tpu.memory_space<any>>
    tpu.wait_dma2 semaphore(%arg5 : memref<!tpu.dma_semaphore, #tpu.memory_space<semaphore_mem>>) src(%arg2 : memref<512x1024xf32, #tpu.memory_space<vmem>>) dst(%dma_wait3A_302 : memref<512x1024xf32, #tpu.memory_space<any>>)
    %dma_wait3A_303 = arith.constant 29 : i32
    %dma_wait3A_304 = arith.constant 0 : i32
    %dma_wait3A_305 = arith.constant 0 : i32
    %dma_wait3A_306 = tpu.memref_slice %arg4[%dma_wait3A_303, %dma_wait3A_304, %dma_wait3A_305] : memref<32x520x1024xf32, #tpu.memory_space<any>> -> memref<1x512x1024xf32, #tpu.memory_space<any>>
    %dma_wait3A_307 = tpu.memref_squeeze %dma_wait3A_306 : memref<1x512x1024xf32, #tpu.memory_space<any>> -> memref<512x1024xf32, #tpu.memory_space<any>>
    tpu.wait_dma2 semaphore(%arg5 : memref<!tpu.dma_semaphore, #tpu.memory_space<semaphore_mem>>) src(%arg2 : memref<512x1024xf32, #tpu.memory_space<vmem>>) dst(%dma_wait3A_307 : memref<512x1024xf32, #tpu.memory_space<any>>)
    %dma_wait3A_308 = arith.constant 30 : i32
    %dma_wait3A_309 = arith.constant 0 : i32
    %dma_wait3A_310 = arith.constant 0 : i32
    %dma_wait3A_311 = tpu.memref_slice %arg4[%dma_wait3A_308, %dma_wait3A_309, %dma_wait3A_310] : memref<32x520x1024xf32, #tpu.memory_space<any>> -> memref<1x512x1024xf32, #tpu.memory_space<any>>
    %dma_wait3A_312 = tpu.memref_squeeze %dma_wait3A_311 : memref<1x512x1024xf32, #tpu.memory_space<any>> -> memref<512x1024xf32, #tpu.memory_space<any>>
    tpu.wait_dma2 semaphore(%arg5 : memref<!tpu.dma_semaphore, #tpu.memory_space<semaphore_mem>>) src(%arg2 : memref<512x1024xf32, #tpu.memory_space<vmem>>) dst(%dma_wait3A_312 : memref<512x1024xf32, #tpu.memory_space<any>>)
    %dma_wait3A_313 = arith.constant 31 : i32
    %dma_wait3A_314 = arith.constant 0 : i32
    %dma_wait3A_315 = arith.constant 0 : i32
    %dma_wait3A_316 = tpu.memref_slice %arg4[%dma_wait3A_313, %dma_wait3A_314, %dma_wait3A_315] : memref<32x520x1024xf32, #tpu.memory_space<any>> -> memref<1x512x1024xf32, #tpu.memory_space<any>>
    %dma_wait3A_317 = tpu.memref_squeeze %dma_wait3A_316 : memref<1x512x1024xf32, #tpu.memory_space<any>> -> memref<512x1024xf32, #tpu.memory_space<any>>
    tpu.wait_dma2 semaphore(%arg5 : memref<!tpu.dma_semaphore, #tpu.memory_space<semaphore_mem>>) src(%arg2 : memref<512x1024xf32, #tpu.memory_space<vmem>>) dst(%dma_wait3A_317 : memref<512x1024xf32, #tpu.memory_space<any>>)
    %dma_wait3A_318 = arith.constant 0 : i32
    %dma_wait3A_319 = arith.constant 512 : i32
    %dma_wait3A_320 = arith.constant 0 : i32
    %dma_wait3A_321 = tpu.memref_slice %arg4[%dma_wait3A_318, %dma_wait3A_319, %dma_wait3A_320] : memref<32x520x1024xf32, #tpu.memory_space<any>> -> memref<1x8x1024xf32, #tpu.memory_space<any>>
    %dma_wait3A_322 = tpu.memref_squeeze %dma_wait3A_321 : memref<1x8x1024xf32, #tpu.memory_space<any>> -> memref<8x1024xf32, #tpu.memory_space<any>>
    tpu.wait_dma2 semaphore(%arg5 : memref<!tpu.dma_semaphore, #tpu.memory_space<semaphore_mem>>) src(%arg3 : memref<8x1024xf32, #tpu.memory_space<vmem>>) dst(%dma_wait3A_322 : memref<8x1024xf32, #tpu.memory_space<any>>)
    %dma_wait3A_323 = arith.constant 1 : i32
    %dma_wait3A_324 = arith.constant 512 : i32
    %dma_wait3A_325 = arith.constant 0 : i32
    %dma_wait3A_326 = tpu.memref_slice %arg4[%dma_wait3A_323, %dma_wait3A_324, %dma_wait3A_325] : memref<32x520x1024xf32, #tpu.memory_space<any>> -> memref<1x8x1024xf32, #tpu.memory_space<any>>
    %dma_wait3A_327 = tpu.memref_squeeze %dma_wait3A_326 : memref<1x8x1024xf32, #tpu.memory_space<any>> -> memref<8x1024xf32, #tpu.memory_space<any>>
    tpu.wait_dma2 semaphore(%arg5 : memref<!tpu.dma_semaphore, #tpu.memory_space<semaphore_mem>>) src(%arg3 : memref<8x1024xf32, #tpu.memory_space<vmem>>) dst(%dma_wait3A_327 : memref<8x1024xf32, #tpu.memory_space<any>>)
    %dma_wait3A_328 = arith.constant 2 : i32
    %dma_wait3A_329 = arith.constant 512 : i32
    %dma_wait3A_330 = arith.constant 0 : i32
    %dma_wait3A_331 = tpu.memref_slice %arg4[%dma_wait3A_328, %dma_wait3A_329, %dma_wait3A_330] : memref<32x520x1024xf32, #tpu.memory_space<any>> -> memref<1x8x1024xf32, #tpu.memory_space<any>>
    %dma_wait3A_332 = tpu.memref_squeeze %dma_wait3A_331 : memref<1x8x1024xf32, #tpu.memory_space<any>> -> memref<8x1024xf32, #tpu.memory_space<any>>
    tpu.wait_dma2 semaphore(%arg5 : memref<!tpu.dma_semaphore, #tpu.memory_space<semaphore_mem>>) src(%arg3 : memref<8x1024xf32, #tpu.memory_space<vmem>>) dst(%dma_wait3A_332 : memref<8x1024xf32, #tpu.memory_space<any>>)
    %dma_wait3A_333 = arith.constant 3 : i32
    %dma_wait3A_334 = arith.constant 512 : i32
    %dma_wait3A_335 = arith.constant 0 : i32
    %dma_wait3A_336 = tpu.memref_slice %arg4[%dma_wait3A_333, %dma_wait3A_334, %dma_wait3A_335] : memref<32x520x1024xf32, #tpu.memory_space<any>> -> memref<1x8x1024xf32, #tpu.memory_space<any>>
    %dma_wait3A_337 = tpu.memref_squeeze %dma_wait3A_336 : memref<1x8x1024xf32, #tpu.memory_space<any>> -> memref<8x1024xf32, #tpu.memory_space<any>>
    tpu.wait_dma2 semaphore(%arg5 : memref<!tpu.dma_semaphore, #tpu.memory_space<semaphore_mem>>) src(%arg3 : memref<8x1024xf32, #tpu.memory_space<vmem>>) dst(%dma_wait3A_337 : memref<8x1024xf32, #tpu.memory_space<any>>)
    %dma_wait3A_338 = arith.constant 4 : i32
    %dma_wait3A_339 = arith.constant 512 : i32
    %dma_wait3A_340 = arith.constant 0 : i32
    %dma_wait3A_341 = tpu.memref_slice %arg4[%dma_wait3A_338, %dma_wait3A_339, %dma_wait3A_340] : memref<32x520x1024xf32, #tpu.memory_space<any>> -> memref<1x8x1024xf32, #tpu.memory_space<any>>
    %dma_wait3A_342 = tpu.memref_squeeze %dma_wait3A_341 : memref<1x8x1024xf32, #tpu.memory_space<any>> -> memref<8x1024xf32, #tpu.memory_space<any>>
    tpu.wait_dma2 semaphore(%arg5 : memref<!tpu.dma_semaphore, #tpu.memory_space<semaphore_mem>>) src(%arg3 : memref<8x1024xf32, #tpu.memory_space<vmem>>) dst(%dma_wait3A_342 : memref<8x1024xf32, #tpu.memory_space<any>>)
    %dma_wait3A_343 = arith.constant 5 : i32
    %dma_wait3A_344 = arith.constant 512 : i32
    %dma_wait3A_345 = arith.constant 0 : i32
    %dma_wait3A_346 = tpu.memref_slice %arg4[%dma_wait3A_343, %dma_wait3A_344, %dma_wait3A_345] : memref<32x520x1024xf32, #tpu.memory_space<any>> -> memref<1x8x1024xf32, #tpu.memory_space<any>>
    %dma_wait3A_347 = tpu.memref_squeeze %dma_wait3A_346 : memref<1x8x1024xf32, #tpu.memory_space<any>> -> memref<8x1024xf32, #tpu.memory_space<any>>
    tpu.wait_dma2 semaphore(%arg5 : memref<!tpu.dma_semaphore, #tpu.memory_space<semaphore_mem>>) src(%arg3 : memref<8x1024xf32, #tpu.memory_space<vmem>>) dst(%dma_wait3A_347 : memref<8x1024xf32, #tpu.memory_space<any>>)
    %dma_wait3A_348 = arith.constant 6 : i32
    %dma_wait3A_349 = arith.constant 512 : i32
    %dma_wait3A_350 = arith.constant 0 : i32
    %dma_wait3A_351 = tpu.memref_slice %arg4[%dma_wait3A_348, %dma_wait3A_349, %dma_wait3A_350] : memref<32x520x1024xf32, #tpu.memory_space<any>> -> memref<1x8x1024xf32, #tpu.memory_space<any>>
    %dma_wait3A_352 = tpu.memref_squeeze %dma_wait3A_351 : memref<1x8x1024xf32, #tpu.memory_space<any>> -> memref<8x1024xf32, #tpu.memory_space<any>>
    tpu.wait_dma2 semaphore(%arg5 : memref<!tpu.dma_semaphore, #tpu.memory_space<semaphore_mem>>) src(%arg3 : memref<8x1024xf32, #tpu.memory_space<vmem>>) dst(%dma_wait3A_352 : memref<8x1024xf32, #tpu.memory_space<any>>)
    %dma_wait3A_353 = arith.constant 7 : i32
    %dma_wait3A_354 = arith.constant 512 : i32
    %dma_wait3A_355 = arith.constant 0 : i32
    %dma_wait3A_356 = tpu.memref_slice %arg4[%dma_wait3A_353, %dma_wait3A_354, %dma_wait3A_355] : memref<32x520x1024xf32, #tpu.memory_space<any>> -> memref<1x8x1024xf32, #tpu.memory_space<any>>
    %dma_wait3A_357 = tpu.memref_squeeze %dma_wait3A_356 : memref<1x8x1024xf32, #tpu.memory_space<any>> -> memref<8x1024xf32, #tpu.memory_space<any>>
    tpu.wait_dma2 semaphore(%arg5 : memref<!tpu.dma_semaphore, #tpu.memory_space<semaphore_mem>>) src(%arg3 : memref<8x1024xf32, #tpu.memory_space<vmem>>) dst(%dma_wait3A_357 : memref<8x1024xf32, #tpu.memory_space<any>>)
    %dma_wait3A_358 = arith.constant 8 : i32
    %dma_wait3A_359 = arith.constant 512 : i32
    %dma_wait3A_360 = arith.constant 0 : i32
    %dma_wait3A_361 = tpu.memref_slice %arg4[%dma_wait3A_358, %dma_wait3A_359, %dma_wait3A_360] : memref<32x520x1024xf32, #tpu.memory_space<any>> -> memref<1x8x1024xf32, #tpu.memory_space<any>>
    %dma_wait3A_362 = tpu.memref_squeeze %dma_wait3A_361 : memref<1x8x1024xf32, #tpu.memory_space<any>> -> memref<8x1024xf32, #tpu.memory_space<any>>
    tpu.wait_dma2 semaphore(%arg5 : memref<!tpu.dma_semaphore, #tpu.memory_space<semaphore_mem>>) src(%arg3 : memref<8x1024xf32, #tpu.memory_space<vmem>>) dst(%dma_wait3A_362 : memref<8x1024xf32, #tpu.memory_space<any>>)
    %dma_wait3A_363 = arith.constant 9 : i32
    %dma_wait3A_364 = arith.constant 512 : i32
    %dma_wait3A_365 = arith.constant 0 : i32
    %dma_wait3A_366 = tpu.memref_slice %arg4[%dma_wait3A_363, %dma_wait3A_364, %dma_wait3A_365] : memref<32x520x1024xf32, #tpu.memory_space<any>> -> memref<1x8x1024xf32, #tpu.memory_space<any>>
    %dma_wait3A_367 = tpu.memref_squeeze %dma_wait3A_366 : memref<1x8x1024xf32, #tpu.memory_space<any>> -> memref<8x1024xf32, #tpu.memory_space<any>>
    tpu.wait_dma2 semaphore(%arg5 : memref<!tpu.dma_semaphore, #tpu.memory_space<semaphore_mem>>) src(%arg3 : memref<8x1024xf32, #tpu.memory_space<vmem>>) dst(%dma_wait3A_367 : memref<8x1024xf32, #tpu.memory_space<any>>)
    %dma_wait3A_368 = arith.constant 10 : i32
    %dma_wait3A_369 = arith.constant 512 : i32
    %dma_wait3A_370 = arith.constant 0 : i32
    %dma_wait3A_371 = tpu.memref_slice %arg4[%dma_wait3A_368, %dma_wait3A_369, %dma_wait3A_370] : memref<32x520x1024xf32, #tpu.memory_space<any>> -> memref<1x8x1024xf32, #tpu.memory_space<any>>
    %dma_wait3A_372 = tpu.memref_squeeze %dma_wait3A_371 : memref<1x8x1024xf32, #tpu.memory_space<any>> -> memref<8x1024xf32, #tpu.memory_space<any>>
    tpu.wait_dma2 semaphore(%arg5 : memref<!tpu.dma_semaphore, #tpu.memory_space<semaphore_mem>>) src(%arg3 : memref<8x1024xf32, #tpu.memory_space<vmem>>) dst(%dma_wait3A_372 : memref<8x1024xf32, #tpu.memory_space<any>>)
    %dma_wait3A_373 = arith.constant 11 : i32
    %dma_wait3A_374 = arith.constant 512 : i32
    %dma_wait3A_375 = arith.constant 0 : i32
    %dma_wait3A_376 = tpu.memref_slice %arg4[%dma_wait3A_373, %dma_wait3A_374, %dma_wait3A_375] : memref<32x520x1024xf32, #tpu.memory_space<any>> -> memref<1x8x1024xf32, #tpu.memory_space<any>>
    %dma_wait3A_377 = tpu.memref_squeeze %dma_wait3A_376 : memref<1x8x1024xf32, #tpu.memory_space<any>> -> memref<8x1024xf32, #tpu.memory_space<any>>
    tpu.wait_dma2 semaphore(%arg5 : memref<!tpu.dma_semaphore, #tpu.memory_space<semaphore_mem>>) src(%arg3 : memref<8x1024xf32, #tpu.memory_space<vmem>>) dst(%dma_wait3A_377 : memref<8x1024xf32, #tpu.memory_space<any>>)
    %dma_wait3A_378 = arith.constant 12 : i32
    %dma_wait3A_379 = arith.constant 512 : i32
    %dma_wait3A_380 = arith.constant 0 : i32
    %dma_wait3A_381 = tpu.memref_slice %arg4[%dma_wait3A_378, %dma_wait3A_379, %dma_wait3A_380] : memref<32x520x1024xf32, #tpu.memory_space<any>> -> memref<1x8x1024xf32, #tpu.memory_space<any>>
    %dma_wait3A_382 = tpu.memref_squeeze %dma_wait3A_381 : memref<1x8x1024xf32, #tpu.memory_space<any>> -> memref<8x1024xf32, #tpu.memory_space<any>>
    tpu.wait_dma2 semaphore(%arg5 : memref<!tpu.dma_semaphore, #tpu.memory_space<semaphore_mem>>) src(%arg3 : memref<8x1024xf32, #tpu.memory_space<vmem>>) dst(%dma_wait3A_382 : memref<8x1024xf32, #tpu.memory_space<any>>)
    %dma_wait3A_383 = arith.constant 13 : i32
    %dma_wait3A_384 = arith.constant 512 : i32
    %dma_wait3A_385 = arith.constant 0 : i32
    %dma_wait3A_386 = tpu.memref_slice %arg4[%dma_wait3A_383, %dma_wait3A_384, %dma_wait3A_385] : memref<32x520x1024xf32, #tpu.memory_space<any>> -> memref<1x8x1024xf32, #tpu.memory_space<any>>
    %dma_wait3A_387 = tpu.memref_squeeze %dma_wait3A_386 : memref<1x8x1024xf32, #tpu.memory_space<any>> -> memref<8x1024xf32, #tpu.memory_space<any>>
    tpu.wait_dma2 semaphore(%arg5 : memref<!tpu.dma_semaphore, #tpu.memory_space<semaphore_mem>>) src(%arg3 : memref<8x1024xf32, #tpu.memory_space<vmem>>) dst(%dma_wait3A_387 : memref<8x1024xf32, #tpu.memory_space<any>>)
    %dma_wait3A_388 = arith.constant 14 : i32
    %dma_wait3A_389 = arith.constant 512 : i32
    %dma_wait3A_390 = arith.constant 0 : i32
    %dma_wait3A_391 = tpu.memref_slice %arg4[%dma_wait3A_388, %dma_wait3A_389, %dma_wait3A_390] : memref<32x520x1024xf32, #tpu.memory_space<any>> -> memref<1x8x1024xf32, #tpu.memory_space<any>>
    %dma_wait3A_392 = tpu.memref_squeeze %dma_wait3A_391 : memref<1x8x1024xf32, #tpu.memory_space<any>> -> memref<8x1024xf32, #tpu.memory_space<any>>
    tpu.wait_dma2 semaphore(%arg5 : memref<!tpu.dma_semaphore, #tpu.memory_space<semaphore_mem>>) src(%arg3 : memref<8x1024xf32, #tpu.memory_space<vmem>>) dst(%dma_wait3A_392 : memref<8x1024xf32, #tpu.memory_space<any>>)
    %dma_wait3A_393 = arith.constant 15 : i32
    %dma_wait3A_394 = arith.constant 512 : i32
    %dma_wait3A_395 = arith.constant 0 : i32
    %dma_wait3A_396 = tpu.memref_slice %arg4[%dma_wait3A_393, %dma_wait3A_394, %dma_wait3A_395] : memref<32x520x1024xf32, #tpu.memory_space<any>> -> memref<1x8x1024xf32, #tpu.memory_space<any>>
    %dma_wait3A_397 = tpu.memref_squeeze %dma_wait3A_396 : memref<1x8x1024xf32, #tpu.memory_space<any>> -> memref<8x1024xf32, #tpu.memory_space<any>>
    tpu.wait_dma2 semaphore(%arg5 : memref<!tpu.dma_semaphore, #tpu.memory_space<semaphore_mem>>) src(%arg3 : memref<8x1024xf32, #tpu.memory_space<vmem>>) dst(%dma_wait3A_397 : memref<8x1024xf32, #tpu.memory_space<any>>)
    %dma_wait3A_398 = arith.constant 16 : i32
    %dma_wait3A_399 = arith.constant 512 : i32
    %dma_wait3A_400 = arith.constant 0 : i32
    %dma_wait3A_401 = tpu.memref_slice %arg4[%dma_wait3A_398, %dma_wait3A_399, %dma_wait3A_400] : memref<32x520x1024xf32, #tpu.memory_space<any>> -> memref<1x8x1024xf32, #tpu.memory_space<any>>
    %dma_wait3A_402 = tpu.memref_squeeze %dma_wait3A_401 : memref<1x8x1024xf32, #tpu.memory_space<any>> -> memref<8x1024xf32, #tpu.memory_space<any>>
    tpu.wait_dma2 semaphore(%arg5 : memref<!tpu.dma_semaphore, #tpu.memory_space<semaphore_mem>>) src(%arg3 : memref<8x1024xf32, #tpu.memory_space<vmem>>) dst(%dma_wait3A_402 : memref<8x1024xf32, #tpu.memory_space<any>>)
    %dma_wait3A_403 = arith.constant 17 : i32
    %dma_wait3A_404 = arith.constant 512 : i32
    %dma_wait3A_405 = arith.constant 0 : i32
    %dma_wait3A_406 = tpu.memref_slice %arg4[%dma_wait3A_403, %dma_wait3A_404, %dma_wait3A_405] : memref<32x520x1024xf32, #tpu.memory_space<any>> -> memref<1x8x1024xf32, #tpu.memory_space<any>>
    %dma_wait3A_407 = tpu.memref_squeeze %dma_wait3A_406 : memref<1x8x1024xf32, #tpu.memory_space<any>> -> memref<8x1024xf32, #tpu.memory_space<any>>
    tpu.wait_dma2 semaphore(%arg5 : memref<!tpu.dma_semaphore, #tpu.memory_space<semaphore_mem>>) src(%arg3 : memref<8x1024xf32, #tpu.memory_space<vmem>>) dst(%dma_wait3A_407 : memref<8x1024xf32, #tpu.memory_space<any>>)
    %dma_wait3A_408 = arith.constant 18 : i32
    %dma_wait3A_409 = arith.constant 512 : i32
    %dma_wait3A_410 = arith.constant 0 : i32
    %dma_wait3A_411 = tpu.memref_slice %arg4[%dma_wait3A_408, %dma_wait3A_409, %dma_wait3A_410] : memref<32x520x1024xf32, #tpu.memory_space<any>> -> memref<1x8x1024xf32, #tpu.memory_space<any>>
    %dma_wait3A_412 = tpu.memref_squeeze %dma_wait3A_411 : memref<1x8x1024xf32, #tpu.memory_space<any>> -> memref<8x1024xf32, #tpu.memory_space<any>>
    tpu.wait_dma2 semaphore(%arg5 : memref<!tpu.dma_semaphore, #tpu.memory_space<semaphore_mem>>) src(%arg3 : memref<8x1024xf32, #tpu.memory_space<vmem>>) dst(%dma_wait3A_412 : memref<8x1024xf32, #tpu.memory_space<any>>)
    %dma_wait3A_413 = arith.constant 19 : i32
    %dma_wait3A_414 = arith.constant 512 : i32
    %dma_wait3A_415 = arith.constant 0 : i32
    %dma_wait3A_416 = tpu.memref_slice %arg4[%dma_wait3A_413, %dma_wait3A_414, %dma_wait3A_415] : memref<32x520x1024xf32, #tpu.memory_space<any>> -> memref<1x8x1024xf32, #tpu.memory_space<any>>
    %dma_wait3A_417 = tpu.memref_squeeze %dma_wait3A_416 : memref<1x8x1024xf32, #tpu.memory_space<any>> -> memref<8x1024xf32, #tpu.memory_space<any>>
    tpu.wait_dma2 semaphore(%arg5 : memref<!tpu.dma_semaphore, #tpu.memory_space<semaphore_mem>>) src(%arg3 : memref<8x1024xf32, #tpu.memory_space<vmem>>) dst(%dma_wait3A_417 : memref<8x1024xf32, #tpu.memory_space<any>>)
    %dma_wait3A_418 = arith.constant 20 : i32
    %dma_wait3A_419 = arith.constant 512 : i32
    %dma_wait3A_420 = arith.constant 0 : i32
    %dma_wait3A_421 = tpu.memref_slice %arg4[%dma_wait3A_418, %dma_wait3A_419, %dma_wait3A_420] : memref<32x520x1024xf32, #tpu.memory_space<any>> -> memref<1x8x1024xf32, #tpu.memory_space<any>>
    %dma_wait3A_422 = tpu.memref_squeeze %dma_wait3A_421 : memref<1x8x1024xf32, #tpu.memory_space<any>> -> memref<8x1024xf32, #tpu.memory_space<any>>
    tpu.wait_dma2 semaphore(%arg5 : memref<!tpu.dma_semaphore, #tpu.memory_space<semaphore_mem>>) src(%arg3 : memref<8x1024xf32, #tpu.memory_space<vmem>>) dst(%dma_wait3A_422 : memref<8x1024xf32, #tpu.memory_space<any>>)
    %dma_wait3A_423 = arith.constant 21 : i32
    %dma_wait3A_424 = arith.constant 512 : i32
    %dma_wait3A_425 = arith.constant 0 : i32
    %dma_wait3A_426 = tpu.memref_slice %arg4[%dma_wait3A_423, %dma_wait3A_424, %dma_wait3A_425] : memref<32x520x1024xf32, #tpu.memory_space<any>> -> memref<1x8x1024xf32, #tpu.memory_space<any>>
    %dma_wait3A_427 = tpu.memref_squeeze %dma_wait3A_426 : memref<1x8x1024xf32, #tpu.memory_space<any>> -> memref<8x1024xf32, #tpu.memory_space<any>>
    tpu.wait_dma2 semaphore(%arg5 : memref<!tpu.dma_semaphore, #tpu.memory_space<semaphore_mem>>) src(%arg3 : memref<8x1024xf32, #tpu.memory_space<vmem>>) dst(%dma_wait3A_427 : memref<8x1024xf32, #tpu.memory_space<any>>)
    %dma_wait3A_428 = arith.constant 22 : i32
    %dma_wait3A_429 = arith.constant 512 : i32
    %dma_wait3A_430 = arith.constant 0 : i32
    %dma_wait3A_431 = tpu.memref_slice %arg4[%dma_wait3A_428, %dma_wait3A_429, %dma_wait3A_430] : memref<32x520x1024xf32, #tpu.memory_space<any>> -> memref<1x8x1024xf32, #tpu.memory_space<any>>
    %dma_wait3A_432 = tpu.memref_squeeze %dma_wait3A_431 : memref<1x8x1024xf32, #tpu.memory_space<any>> -> memref<8x1024xf32, #tpu.memory_space<any>>
    tpu.wait_dma2 semaphore(%arg5 : memref<!tpu.dma_semaphore, #tpu.memory_space<semaphore_mem>>) src(%arg3 : memref<8x1024xf32, #tpu.memory_space<vmem>>) dst(%dma_wait3A_432 : memref<8x1024xf32, #tpu.memory_space<any>>)
    %dma_wait3A_433 = arith.constant 23 : i32
    %dma_wait3A_434 = arith.constant 512 : i32
    %dma_wait3A_435 = arith.constant 0 : i32
    %dma_wait3A_436 = tpu.memref_slice %arg4[%dma_wait3A_433, %dma_wait3A_434, %dma_wait3A_435] : memref<32x520x1024xf32, #tpu.memory_space<any>> -> memref<1x8x1024xf32, #tpu.memory_space<any>>
    %dma_wait3A_437 = tpu.memref_squeeze %dma_wait3A_436 : memref<1x8x1024xf32, #tpu.memory_space<any>> -> memref<8x1024xf32, #tpu.memory_space<any>>
    tpu.wait_dma2 semaphore(%arg5 : memref<!tpu.dma_semaphore, #tpu.memory_space<semaphore_mem>>) src(%arg3 : memref<8x1024xf32, #tpu.memory_space<vmem>>) dst(%dma_wait3A_437 : memref<8x1024xf32, #tpu.memory_space<any>>)
    %dma_wait3A_438 = arith.constant 24 : i32
    %dma_wait3A_439 = arith.constant 512 : i32
    %dma_wait3A_440 = arith.constant 0 : i32
    %dma_wait3A_441 = tpu.memref_slice %arg4[%dma_wait3A_438, %dma_wait3A_439, %dma_wait3A_440] : memref<32x520x1024xf32, #tpu.memory_space<any>> -> memref<1x8x1024xf32, #tpu.memory_space<any>>
    %dma_wait3A_442 = tpu.memref_squeeze %dma_wait3A_441 : memref<1x8x1024xf32, #tpu.memory_space<any>> -> memref<8x1024xf32, #tpu.memory_space<any>>
    tpu.wait_dma2 semaphore(%arg5 : memref<!tpu.dma_semaphore, #tpu.memory_space<semaphore_mem>>) src(%arg3 : memref<8x1024xf32, #tpu.memory_space<vmem>>) dst(%dma_wait3A_442 : memref<8x1024xf32, #tpu.memory_space<any>>)
    %dma_wait3A_443 = arith.constant 25 : i32
    %dma_wait3A_444 = arith.constant 512 : i32
    %dma_wait3A_445 = arith.constant 0 : i32
    %dma_wait3A_446 = tpu.memref_slice %arg4[%dma_wait3A_443, %dma_wait3A_444, %dma_wait3A_445] : memref<32x520x1024xf32, #tpu.memory_space<any>> -> memref<1x8x1024xf32, #tpu.memory_space<any>>
    %dma_wait3A_447 = tpu.memref_squeeze %dma_wait3A_446 : memref<1x8x1024xf32, #tpu.memory_space<any>> -> memref<8x1024xf32, #tpu.memory_space<any>>
    tpu.wait_dma2 semaphore(%arg5 : memref<!tpu.dma_semaphore, #tpu.memory_space<semaphore_mem>>) src(%arg3 : memref<8x1024xf32, #tpu.memory_space<vmem>>) dst(%dma_wait3A_447 : memref<8x1024xf32, #tpu.memory_space<any>>)
    %dma_wait3A_448 = arith.constant 26 : i32
    %dma_wait3A_449 = arith.constant 512 : i32
    %dma_wait3A_450 = arith.constant 0 : i32
    %dma_wait3A_451 = tpu.memref_slice %arg4[%dma_wait3A_448, %dma_wait3A_449, %dma_wait3A_450] : memref<32x520x1024xf32, #tpu.memory_space<any>> -> memref<1x8x1024xf32, #tpu.memory_space<any>>
    %dma_wait3A_452 = tpu.memref_squeeze %dma_wait3A_451 : memref<1x8x1024xf32, #tpu.memory_space<any>> -> memref<8x1024xf32, #tpu.memory_space<any>>
    tpu.wait_dma2 semaphore(%arg5 : memref<!tpu.dma_semaphore, #tpu.memory_space<semaphore_mem>>) src(%arg3 : memref<8x1024xf32, #tpu.memory_space<vmem>>) dst(%dma_wait3A_452 : memref<8x1024xf32, #tpu.memory_space<any>>)
    %dma_wait3A_453 = arith.constant 27 : i32
    %dma_wait3A_454 = arith.constant 512 : i32
    %dma_wait3A_455 = arith.constant 0 : i32
    %dma_wait3A_456 = tpu.memref_slice %arg4[%dma_wait3A_453, %dma_wait3A_454, %dma_wait3A_455] : memref<32x520x1024xf32, #tpu.memory_space<any>> -> memref<1x8x1024xf32, #tpu.memory_space<any>>
    %dma_wait3A_457 = tpu.memref_squeeze %dma_wait3A_456 : memref<1x8x1024xf32, #tpu.memory_space<any>> -> memref<8x1024xf32, #tpu.memory_space<any>>
    tpu.wait_dma2 semaphore(%arg5 : memref<!tpu.dma_semaphore, #tpu.memory_space<semaphore_mem>>) src(%arg3 : memref<8x1024xf32, #tpu.memory_space<vmem>>) dst(%dma_wait3A_457 : memref<8x1024xf32, #tpu.memory_space<any>>)
    %dma_wait3A_458 = arith.constant 28 : i32
    %dma_wait3A_459 = arith.constant 512 : i32
    %dma_wait3A_460 = arith.constant 0 : i32
    %dma_wait3A_461 = tpu.memref_slice %arg4[%dma_wait3A_458, %dma_wait3A_459, %dma_wait3A_460] : memref<32x520x1024xf32, #tpu.memory_space<any>> -> memref<1x8x1024xf32, #tpu.memory_space<any>>
    %dma_wait3A_462 = tpu.memref_squeeze %dma_wait3A_461 : memref<1x8x1024xf32, #tpu.memory_space<any>> -> memref<8x1024xf32, #tpu.memory_space<any>>
    tpu.wait_dma2 semaphore(%arg5 : memref<!tpu.dma_semaphore, #tpu.memory_space<semaphore_mem>>) src(%arg3 : memref<8x1024xf32, #tpu.memory_space<vmem>>) dst(%dma_wait3A_462 : memref<8x1024xf32, #tpu.memory_space<any>>)
    %dma_wait3A_463 = arith.constant 29 : i32
    %dma_wait3A_464 = arith.constant 512 : i32
    %dma_wait3A_465 = arith.constant 0 : i32
    %dma_wait3A_466 = tpu.memref_slice %arg4[%dma_wait3A_463, %dma_wait3A_464, %dma_wait3A_465] : memref<32x520x1024xf32, #tpu.memory_space<any>> -> memref<1x8x1024xf32, #tpu.memory_space<any>>
    %dma_wait3A_467 = tpu.memref_squeeze %dma_wait3A_466 : memref<1x8x1024xf32, #tpu.memory_space<any>> -> memref<8x1024xf32, #tpu.memory_space<any>>
    tpu.wait_dma2 semaphore(%arg5 : memref<!tpu.dma_semaphore, #tpu.memory_space<semaphore_mem>>) src(%arg3 : memref<8x1024xf32, #tpu.memory_space<vmem>>) dst(%dma_wait3A_467 : memref<8x1024xf32, #tpu.memory_space<any>>)
    %dma_wait3A_468 = arith.constant 30 : i32
    %dma_wait3A_469 = arith.constant 512 : i32
    %dma_wait3A_470 = arith.constant 0 : i32
    %dma_wait3A_471 = tpu.memref_slice %arg4[%dma_wait3A_468, %dma_wait3A_469, %dma_wait3A_470] : memref<32x520x1024xf32, #tpu.memory_space<any>> -> memref<1x8x1024xf32, #tpu.memory_space<any>>
    %dma_wait3A_472 = tpu.memref_squeeze %dma_wait3A_471 : memref<1x8x1024xf32, #tpu.memory_space<any>> -> memref<8x1024xf32, #tpu.memory_space<any>>
    tpu.wait_dma2 semaphore(%arg5 : memref<!tpu.dma_semaphore, #tpu.memory_space<semaphore_mem>>) src(%arg3 : memref<8x1024xf32, #tpu.memory_space<vmem>>) dst(%dma_wait3A_472 : memref<8x1024xf32, #tpu.memory_space<any>>)
    %dma_wait3A_473 = arith.constant 31 : i32
    %dma_wait3A_474 = arith.constant 512 : i32
    %dma_wait3A_475 = arith.constant 0 : i32
    %dma_wait3A_476 = tpu.memref_slice %arg4[%dma_wait3A_473, %dma_wait3A_474, %dma_wait3A_475] : memref<32x520x1024xf32, #tpu.memory_space<any>> -> memref<1x8x1024xf32, #tpu.memory_space<any>>
    %dma_wait3A_477 = tpu.memref_squeeze %dma_wait3A_476 : memref<1x8x1024xf32, #tpu.memory_space<any>> -> memref<8x1024xf32, #tpu.memory_space<any>>
    tpu.wait_dma2 semaphore(%arg5 : memref<!tpu.dma_semaphore, #tpu.memory_space<semaphore_mem>>) src(%arg3 : memref<8x1024xf32, #tpu.memory_space<vmem>>) dst(%dma_wait3A_477 : memref<8x1024xf32, #tpu.memory_space<any>>)
    return
  }
  func.func @transform_1(%arg0: i32) -> (i32, i32) {
    %c0_i32 = arith.constant 0 : i32
    %c0_i32_0 = arith.constant 0 : i32
    %c0_i32_1 = arith.constant 0 : i32
    return %c0_i32, %c0_i32_0 : i32, i32
  }
  func.func @transform_2(%arg0: i32) -> (i32, i32) {
    %c0_i32 = arith.constant 0 : i32
    %c0_i32_0 = arith.constant 0 : i32
    %c0_i32_1 = arith.constant 0 : i32
    return %c0_i32, %c0_i32_0 : i32, i32
  }
}

</mosaic_0001>

<sc_bundles>
// kernel: kernel.5.cloned.1.call-start
scs
__scs_entry_jumppad:
0x0: {  	(pc) =	sbr.rel $0x88, $3  }
0x1: {  	(tag) =	ssettag $0x0;
	lr =	simm.s32 $0x1  }
0x2: {  	[smem:$0x3F9C] =	sst lr;
	_ =	strace $0xD0000000  }
0x3: {  	_ = 	snop  }
0x4: {  	_ = 	snop  }
0x5: {  	_ = 	snop  }
0x6: {  	_ = 	snop  }
0x7: {  	_ = 	snop  }
__scs_overlays_trampoline_lowered:
0x8: {  	[smem:$0x3FAB] =	sst s0  }
0x9: {  	[smem:$0x3FAC] =	sst s1  }
0xa: {  	[smem:$0x3FAD] =	sst s2  }
0xb: {  	[smem:$0x3FAE] =	sst s3  }
0xc: {  	[smem:$0x3FAF] =	sst s4  }
0xd: {  	[smem:$0x3FB0] =	sst s5  }
0xe: {  	[smem:$0x3FB1] =	sst s6  }
0xf: {  	[smem:$0x3FB2] =	sst s7  }
0x10: {  	[smem:$0x3FB3] =	sst s8  }
0x11: {  	[smem:$0x3FB4] =	sst s9;
	s0 =	simm.s32 @!p0 $0x0  }
0x12: {  	s1 =	sld [smem:$0x3F9A];
	s0 =	simm.s32 @p0 $0x1  }
0x13: {  	[smem:$0x3FB5] =	sst s0;
	s0 =	simm.s32 @!p1 $0x0  }
0x14: {  	s2 =	sld [smem:$0x3F99];
	s0 =	simm.s32 @p1 $0x1  }
0x15: {  	[smem:$0x3FB6] =	sst s0;
	s0 =	simm.s32 @!p2 $0x0  }
0x16: {  	s3 =	sld [smem:$0x3FDB];
	s0 =	simm.s32 @p2 $0x1  }
0x17: {  	s4 =	simm.s32 $0x1BF5;
	[smem:$0x3FB8] =	sst s0  }
0x18: {  	s0 =	sld [smem:$0x3F9B];
	_ =	swait.ge [sflag:s4], $0x0  }
0x19: {  	s7 =	sld [smem:$0x3F9C]  }
0x1a: {  	s8 =	sadd.s32 $0xFFFFE003, lr  }
0x1b: {  	s9 =	sadd.s32 $0xFFFFFEF7, lr;
	s5 =	simm.s32 $0xFFFFFFFF;
	p2 =	slt.u32 s8, $0xFFFFF086  }
0x1c: {  	p1 =	slt.u32 s9, $0xF7A;
	s5 =	simm.s32 @!p2 $0x0  }
0x1d: {  	s5 =	simm.s32 @p1 $0x1;
	p0 =	seq.s32 s7, s2  }
0x1e: {  	s7 =	smul.u32 @!p0 $0xF7A, s2;
	p2 =	seq.s32 @!p0 s5, $0x0  }
0x1f: {  	s9 =	smul.u32 $0xF7A, s1;
	s8 =	simm.s32 @!p0 $0x1BF5;
	p2 =	por !p2, p0  }
0x20: {  	[sflag:s8] =	ssyncset.s32 @!p0 $0xFFFFF086;
	s6 =	sadd.s32 @!p0 s3, s7;
	s7 =	simm.s32 @!p0 $0x108  }
0x21: {  	s3 =	sadd.s32 s3, s9;
	s6 =	sadd.s32 @!p0 $0x88, s6;
	s7 =	simm.s32 @p2 $0x1082  }
0x22: {  	[simem:s7], [sflag:s8] =	dma.local @!p0 [hbm:s6], $0xF7A  }
0x23: {  	s9 =	sor.u32 $0xD0000000, s2;
	s6 =	simm.s32 $0x108;
	_ =	swait.ge @!p0 [sflag:s8], $0x0  }
0x24: {  	s3 =	sadd.s32 $0x88, s3;
	s6 =	simm.s32 @!p1 $0x1082;
	[sflag:s4] =	ssyncset.s32 $0xFFFFF086  }
0x25: {  	[simem:s6], [sflag:s4] =	dma.local [hbm:s3], $0xF7A  }
0x26: {  	[smem:$0x3F9C] =	sst s1;
	(tag) =	ssettag s2;
	_ =	strace s9  }
0x27: {  	s1 =	sld [smem:$0x3FAC]  }
0x28: {  	s2 =	sld [smem:$0x3FAD]  }
0x29: {  	s4 =	sld [smem:$0x3FAF]  }
0x2a: {  	p0 =	seq.s32 s5, $0x0;
	s5 =	sld [smem:$0x3FB0]  }
0x2b: {  	s6 =	sld [smem:$0x3FB1]  }
0x2c: {  	s7 =	sld [smem:$0x3FB2]  }
0x2d: {  	s3 =	simm.s32 $0x108;
	s8 =	sld [smem:$0x3FB3]  }
0x2e: {  	s3 =	simm.s32 @!p0 $0x1082;
	s9 =	sld [smem:$0x3FB4]  }
0x2f: {  	lr =	sadd.s32 s0, s3;
	s0 =	sld [smem:$0x3FAB]  }
0x30: {  	s3 =	sld [smem:$0x3FAE]  }
0x31: {  	[smem:$0x3FB7] =	sst s10  }
0x32: {  	s10 =	sld [smem:$0x3FB5];
	_ =	sdelay $0x3  }
0x33: {  	p0 =	seq.s32 s10, $0x1;
	s10 =	sld [smem:$0x3FB7];
	_ =	sdelay $0x3  }
0x34: {  	[smem:$0x3FB7] =	sst s10  }
0x35: {  	s10 =	sld [smem:$0x3FB6];
	_ =	sdelay $0x3  }
0x36: {  	p1 =	seq.s32 s10, $0x1;
	s10 =	sld [smem:$0x3FB7];
	_ =	sdelay $0x3  }
0x37: {  	[smem:$0x3FB7] =	sst s10  }
0x38: {  	s10 =	sld [smem:$0x3FB8]  }
0x39: {  	_ = 	snop;
	(pc) =	sbr.ind lr, $3  }
0x3a: {  	_ = 	snop  }
0x3b: {  	_ = 	snop  }
0x3c: {  	p2 =	seq.s32 s10, $0x1;
	s10 =	sld [smem:$0x3FB7]  }
0x3d: {  	_ =	shalt  }
0x3e: {  	_ =	shalt  }
0x3f: {  	_ =	shalt  }
0x40: {  	_ =	shalt  }
0x41: {  	_ =	shalt  }
0x42: {  	_ =	shalt  }
0x43: {  	_ =	shalt  }
0x44: {  	_ =	shalt  }
0x45: {  	_ =	shalt  }
0x46: {  	_ =	shalt  }
0x47: {  	_ =	shalt  }
0x48: {  	_ =	shalt  }
0x49: {  	_ =	shalt  }
0x4a: {  	_ =	shalt  }
0x4b: {  	_ =	shalt  }
0x4c: {  	_ =	shalt  }
0x4d: {  	_ =	shalt  }
0x4e: {  	_ =	shalt  }
0x4f: {  	_ =	shalt  }
0x50: {  	_ =	shalt  }
0x51: {  	_ =	shalt  }
0x52: {  	_ =	shalt  }
0x53: {  	_ =	shalt  }
0x54: {  	_ =	shalt  }
0x55: {  	_ =	shalt  }
0x56: {  	_ =	shalt  }
0x57: {  	_ =	shalt  }
0x58: {  	_ =	shalt  }
0x59: {  	_ =	shalt  }
0x5a: {  	_ =	shalt  }
0x5b: {  	_ =	shalt  }
0x5c: {  	_ =	shalt  }
0x5d: {  	_ =	shalt  }
0x5e: {  	_ =	shalt  }
0x5f: {  	_ =	shalt  }
0x60: {  	_ =	shalt  }
0x61: {  	_ =	shalt  }
0x62: {  	_ =	shalt  }
0x63: {  	_ =	shalt  }
0x64: {  	_ =	shalt  }
0x65: {  	_ =	shalt  }
0x66: {  	_ =	shalt  }
0x67: {  	_ =	shalt  }
0x68: {  	_ =	shalt  }
0x69: {  	_ =	shalt  }
0x6a: {  	_ =	shalt  }
0x6b: {  	_ =	shalt  }
0x6c: {  	_ =	shalt  }
0x6d: {  	_ =	shalt  }
0x6e: {  	_ =	shalt  }
0x6f: {  	_ =	shalt  }
0x70: {  	_ =	shalt  }
0x71: {  	_ =	shalt  }
0x72: {  	_ =	shalt  }
0x73: {  	_ =	shalt  }
0x74: {  	_ =	shalt  }
0x75: {  	_ =	shalt  }
0x76: {  	_ =	shalt  }
0x77: {  	_ =	shalt  }
0x78: {  	_ =	shalt  }
0x79: {  	_ =	shalt  }
0x7a: {  	_ =	shalt  }
0x7b: {  	_ =	shalt  }
0x7c: {  	_ =	shalt  }
0x7d: {  	_ =	shalt  }
0x7e: {  	_ =	shalt  }
0x7f: {  	_ =	shalt  }
0x80: {  	_ =	shalt  }
0x81: {  	_ =	shalt  }
0x82: {  	_ =	shalt  }
0x83: {  	_ =	shalt  }
0x84: {  	_ =	shalt  }
0x85: {  	_ =	shalt  }
0x86: {  	_ =	shalt  }
0x87: {  	_ =	shalt  }
.Lfunc_end0:
.L_simem_size_0:
called_computation_lowered:
.L_overlay_start_0:
0x88: {  	s2 =	sld [smem:$0x3FD9]  }
0x89: {  	s3 =	sld [smem:$0x3FFE];
	_ =	sdelay $0x1  }
0x8a: {  	s1 =	srdreg.scid  }
0x8b: {  	s0 =	sand.u32 $0x1, s1  }
0x8c: {  	s16 =	sshll.u32 s0, $0xA;
	s2 =	sadd.s32 s3, s2  }
0x8d: {  	s2 =	sadd.s32 s2, s16  }
0x8e: {  	s4 =	simm.s32 $0x0;
	[smem:$0x3FC3] =	sst s2  }
0x8f: {  	[smem:$0xF] =	sst s4  }
0x90: {  	s2 =	sld [smem:$0x3FC9]  }
0x91: {  	s17 =	sld [smem:$0x3FD0];
	(tm) =	ssettm $0x1  }
0x92: {  	s5 =	sld [smem:$0x3FFB];
	_ =	sdelay $0x3  }
0x93: {  	_ =	strace s5  }
0x94: {  	s5 =	sld [smem:$0x3FFC];
	_ =	sdelay $0x3  }
0x95: {  	_ =	strace s5  }
0x96: {  	s5 =	sld [smem:$0x3FFD];
	_ =	sdelay $0x3  }
0x97: {  	_ =	strace s5  }
0x98: {  	s18 =	simm.s32 $0x1B8B;
	_ =	strace $0x8FFFFFFF  }
0x99: {  	_ =	swait.ge [sflag:s18], $0x1  }
0x9a: {  	[sflag:s18] =	ssyncset.done $0x0  }
0x9b: {  	s19 =	simm.s32 $0x1B8E;
	[sflag:s18] =	ssyncadd.s32 $0xFFFFFFFF  }
0x9c: {  	[smem:$0x3FD2] =	sst s19  }
0x9d: {  	s20 =	simm.s32 $0xA;
	s21 =	smul.u32 $0x82000, s0;
	_ =	strace $0x80000046  }
0x9e: {  	[spmem:s4], [sflag:s20] =	dma.local [hbm:s2], $0x10000  }
0x9f: {  	s6 =	smul.u32 $0x410000, s0;
	_ =	swait.ge [sflag:s20], $0x10000  }
0xa0: {  	s22 =	simm.s32 $0x9;
	[sflag:s20] =	ssyncset.done $0x0  }
0xa1: {  	s23 =	sshrl.u32 s6, $0x3;
	s2 =	sadd.s32 s21, s17;
	[sflag:s20] =	ssyncadd.s32 $0xFFFF0000  }
0xa2: {  	[hbm:s2], [sflag:s22] =	dma.local [spmem:s4], $0x10000  }
0xa3: {  	s2 =	sadd.s32 s17, s23  }
0xa4: {  	s3 =	sadd.s32 $0x10400, s2  }
0xa5: {  	s24 =	sadd.s32 $0x20800, s2;
	s25 =	sadd.s32 $0x30C00, s2;
	s26 =	sadd.s32 $0x41000, s2  }
0xa6: {  	s28 =	sadd.s32 $0x51400, s2;
	s29 =	sadd.s32 $0x61800, s2;
	s2 =	sadd.s32 $0x71C00, s2  }
0xa7: {  	[hbm:s3], [sflag:s22] =	dma.local [spmem:s4], $0x10000  }
0xa8: {  	[hbm:s24], [sflag:s22] =	dma.local [spmem:s4], $0x10000  }
0xa9: {  	[hbm:s25], [sflag:s22] =	dma.local [spmem:s4], $0x10000  }
0xaa: {  	[hbm:s26], [sflag:s22] =	dma.local [spmem:s4], $0x10000  }
0xab: {  	[hbm:s28], [sflag:s22] =	dma.local [spmem:s4], $0x10000  }
0xac: {  	[hbm:s29], [sflag:s22] =	dma.local [spmem:s4], $0x10000  }
0xad: {  	[hbm:s2], [sflag:s22] =	dma.local [spmem:s4], $0x10000  }
0xae: {  	_ =	swait.ge [sflag:s22], $0x10000  }
0xaf: {  	[sflag:s22] =	ssyncset.done $0x0  }
0xb0: {  	[sflag:s22] =	ssyncadd.s32 $0xFFFF0000;
	_ =	sdelay $0x2  }
0xb1: {  	_ =	swait.ge [sflag:s22], $0x10000  }
0xb2: {  	[sflag:s22] =	ssyncset.done $0x0  }
0xb3: {  	[sflag:s22] =	ssyncadd.s32 $0xFFFF0000;
	_ =	sdelay $0x2  }
0xb4: {  	_ =	swait.ge [sflag:s22], $0x10000  }
0xb5: {  	[sflag:s22] =	ssyncset.done $0x0  }
0xb6: {  	[sflag:s22] =	ssyncadd.s32 $0xFFFF0000;
	_ =	sdelay $0x2  }
0xb7: {  	_ =	swait.ge [sflag:s22], $0x10000  }
0xb8: {  	[sflag:s22] =	ssyncset.done $0x0  }
0xb9: {  	[sflag:s22] =	ssyncadd.s32 $0xFFFF0000;
	_ =	sdelay $0x2  }
0xba: {  	_ =	swait.ge [sflag:s22], $0x10000  }
0xbb: {  	[sflag:s22] =	ssyncset.done $0x0  }
0xbc: {  	[sflag:s22] =	ssyncadd.s32 $0xFFFF0000;
	_ =	sdelay $0x2  }
0xbd: {  	_ =	swait.ge [sflag:s22], $0x10000  }
0xbe: {  	[sflag:s22] =	ssyncset.done $0x0  }
0xbf: {  	[sflag:s22] =	ssyncadd.s32 $0xFFFF0000;
	_ =	sdelay $0x2  }
0xc0: {  	_ =	swait.ge [sflag:s22], $0x10000  }
0xc1: {  	[sflag:s22] =	ssyncset.done $0x0  }
0xc2: {  	[sflag:s22] =	ssyncadd.s32 $0xFFFF0000;
	_ =	sdelay $0x2  }
0xc3: {  	_ =	swait.ge [sflag:s22], $0x10000  }
0xc4: {  	[sflag:s22] =	ssyncset.done $0x0  }
0xc5: {  	[sflag:s22] =	ssyncadd.s32 $0xFFFF0000  }
0xc6: {  	_ =	strace $0x90000046  }
0xc7: {  	_ =	sfence  }
0xc8: {  	s30 =	sld [smem:$0x0];
	_ =	sdelay $0x2  }
0xc9: {  	s31 =	sshll.u32 s1, $0xD;
	s1 =	sshrl.u32 s1, $0x2  }
0xca: {  	s3 =	sand.u32 $0x4000, s31;
	s1 =	sadd.s32 s1, s30  }
0xcb: {  	s0 =	sor.u32 s3, s0;
	s1 =	sshll.u32 s1, $0x11  }
0xcc: {  	s0 =	sor.u32 s1, s0  }
0xcd: {  	s0 =	sadd.s32 $0x8F2B, s0;
	(pc) =	sbr.abs _section_cstart, $3  }
0xce: {  	[sflag:s0] =	ssyncadd.remote.s32 $0x1  }
0xcf: {  	_ =	strace $0x9FFFFFFF  }
0xd0: {  	(tm) =	ssettm $0x7FFFFFFF  }
0xd1: {  	_ =	shalt  }

</sc_bundles>
